<compile_context>
chip_gen: v7x
topology: tpu7x:2x2x1
jax: 0.10.2.dev20260603
libtpu: 0.0.44.dev20260713+nightly
codegen_flags: <defaults>
</compile_context>

<pallas_src>
import functools

import jax
import jax.numpy as jnp
import numpy as np
from jax import lax
from jax.experimental import pallas as pl
from jax.experimental.pallas import tpu as pltpu
from jax.experimental.pallas import tpu_sc as plsc

_NC = 2
_NS = 16
_NW = _NC * _NS



@functools.cache
def _make_sc_gather(V, D, B):
    assert D % 16 == 0 and B % (8 * _NW) == 0
    b_per_w = B // _NW
    CH = min(128, b_per_w)
    n_ch = b_per_w // CH
    assert b_per_w % CH == 0
    mesh = plsc.VectorSubcoreMesh(core_axis_name="c", subcore_axis_name="s")

    @functools.partial(
        pl.kernel, mesh=mesh,
        out_type=jax.ShapeDtypeStruct((B, D), jnp.float32),
        scratch_types=[
            pltpu.VMEM((CH,), jnp.int32),
            pltpu.VMEM((CH, D), jnp.float32),
            pltpu.SemaphoreType.DMA,
        ],
    )
    def k(table_hbm, idx_hbm, out_hbm, idx_v, rows_v, sem):
        wid = lax.axis_index("s") * _NC + lax.axis_index("c")
        base = wid * b_per_w

        def chunk(i, carry):
            off = base + i * CH
            pltpu.sync_copy(idx_hbm.at[pl.ds(off, CH)], idx_v)
            pltpu.async_copy(table_hbm.at[idx_v], rows_v, sem).wait()
            pltpu.sync_copy(rows_v, out_hbm.at[pl.ds(off, CH)])
            return carry

        lax.fori_loop(0, n_ch, chunk, 0)

    return k


def _sc_gather(table, idx):
    Bb, V, D = table.shape
    _, N, k = idx.shape
    Dp = ((D + 127) // 128) * 128
    if Dp != D:
        table = jnp.pad(table, ((0, 0), (0, 0), (0, Dp - D)))
    off = (jnp.arange(Bb, dtype=jnp.int32) * V)[:, None, None]
    flat_idx = (idx.astype(jnp.int32) + off).reshape(-1)
    out = _make_sc_gather(Bb * V, Dp, flat_idx.shape[0])(table.reshape(-1, Dp), flat_idx)
    return out.reshape(Bb, N, k, Dp)[..., :D]


def _sc_gather_flat(table, idx):
    Bb, V, D = table.shape
    Dp = ((D + 127) // 128) * 128
    if Dp != D:
        table = jnp.pad(table, ((0, 0), (0, 0), (0, Dp - D)))
    off = (jnp.arange(Bb, dtype=jnp.int32) * V)[:, None, None]
    flat_idx = (idx.astype(jnp.int32) + off).reshape(-1)
    return _make_sc_gather(Bb * V, Dp, flat_idx.shape[0])(table.reshape(-1, Dp), flat_idx)


def _pad16(xyz):
    return jnp.pad(xyz, ((0, 0), (0, 0), (0, 13)))



def _make_ff_tc(Ntot, k, C, Cout, RB, interpret=False):
    grid = (Ntot // RB,)

    def body(g_ref, x_ref, wg_ref, bg_ref, wfa_ref, wfb_ref, bf_ref, out_ref):
        G = g_ref[...]
        nx = G[:, :3]
        nf = G[:, 16:16 + C]
        x = x_ref[...]
        rel = (nx.reshape(RB, k, 3) - x[:, None, :]).reshape(RB * k, 3)
        geo = jax.nn.relu(rel @ wg_ref[...] + bg_ref[...])
        h = jax.nn.relu(
            jnp.concatenate([nf, geo], axis=1)
            @ jnp.concatenate([wfa_ref[...], wfb_ref[...]], axis=0) + bf_ref[...])
        out_ref[...] = jnp.max(h.reshape(RB, k, Cout), axis=1)

    return pl.pallas_call(
        body,
        grid=grid,
        in_specs=[
            pl.BlockSpec((RB * k, 128 if C <= 112 else 256), lambda i: (i, 0)),
            pl.BlockSpec((RB, 3), lambda i: (i, 0)),
            pl.BlockSpec((3, 16), lambda i: (0, 0)),
            pl.BlockSpec((1, 16), lambda i: (0, 0)),
            pl.BlockSpec((C, Cout), lambda i: (0, 0)),
            pl.BlockSpec((16, Cout), lambda i: (0, 0)),
            pl.BlockSpec((1, Cout), lambda i: (0, 0)),
        ],
        out_specs=pl.BlockSpec((RB, Cout), lambda i: (i, 0)),
        out_shape=jax.ShapeDtypeStruct((Ntot, Cout), jnp.float32),
        interpret=interpret,
    )


def _ff_fused(xyz, feat, idx, Wg, bg, Wf, bf, interpret=False):
    B, N, _ = xyz.shape
    k = idx.shape[-1]
    C = feat.shape[-1]
    Cout = Wf.shape[1]
    gflat = _sc_gather_flat(jnp.concatenate([_pad16(xyz), feat], axis=-1), idx)
    fn = _make_ff_tc(B * N, k, C, Cout, 256, interpret)
    out = fn(gflat, xyz.reshape(B * N, 3), Wg, bg[None, :],
             Wf[:C], Wf[C:], bf[None, :])
    return out.reshape(B, N, Cout)



def _make_knn_tc(B, Nq, Ns, K, QB, r2, interpret=False):
    grid = (B, Nq // QB)

    def body(q_ref, s_ref, bb_ref, oidx_ref, d_scr):
        q = q_ref[0]
        s = s_ref[0]
        bb = bb_ref[0]
        ab = jax.lax.dot_general(q, s, dimension_numbers=(((1,), (1,)), ((), ())),
                                 preferred_element_type=jnp.float32)
        aa = jnp.sum(q * q, axis=1, keepdims=True)
        d_scr[...] = jnp.maximum(aa + bb - 2.0 * ab, 0.0)
        iota = jax.lax.broadcasted_iota(jnp.int32, (QB, Ns), 1)
        kio = jax.lax.broadcasted_iota(jnp.int32, (QB, K), 1)

        def step(j, carry):
            am0, acc = carry
            d = d_scr[...]
            m = jnp.min(d, axis=1, keepdims=True)
            sel = jnp.where(d <= m, iota, Ns)
            am = jnp.min(sel, axis=1, keepdims=True)
            am0 = jnp.where(j == 0, am, am0)
            res = am if r2 is None else jnp.where(m <= r2, am, am0)
            acc = jnp.where(kio == j, res, acc)
            d_scr[...] = jnp.where(sel == am, jnp.float32(jnp.inf), d)
            return am0, acc

        _, acc = jax.lax.fori_loop(
            0, K, step,
            (jnp.zeros((QB, 1), jnp.int32), jnp.zeros((QB, K), jnp.int32)))
        oidx_ref[0] = acc

    return pl.pallas_call(
        body,
        grid=grid,
        in_specs=[
            pl.BlockSpec((1, QB, 3), lambda b, i: (b, i, 0)),
            pl.BlockSpec((1, Ns, 3), lambda b, i: (b, 0, 0)),
            pl.BlockSpec((1, 1, Ns), lambda b, i: (b, 0, 0)),
        ],
        out_specs=pl.BlockSpec((1, QB, K), lambda b, i: (b, i, 0)),
        out_shape=jax.ShapeDtypeStruct((B, Nq, K), jnp.int32),
        scratch_shapes=[pltpu.VMEM((QB, Ns), jnp.float32)],
        interpret=interpret,
    )


def _knn_tc(k, support, query, r2=None, qb=256, interpret=False):
    B, Nq, _ = query.shape
    Ns = support.shape[1]
    bb = jnp.sum(support * support, axis=-1)[:, None, :]
    fn = _make_knn_tc(B, Nq, Ns, k, qb, r2, interpret)
    return fn(query, support, bb)



def _sqdist(a, b):
    aa = jnp.sum(a * a, axis=-1)[:, :, None]
    bb = jnp.sum(b * b, axis=-1)[:, None, :]
    ab = jnp.einsum('bnc,bmc->bnm', a, b)
    return jnp.maximum(aa + bb - 2.0 * ab, 0.0)


def _knn(k, support, query):
    d = _sqdist(query, support)
    negd, idx = jax.lax.top_k(-d, k)
    return idx, -negd


def _ball_query(radius, k, support, query):
    idx, d = _knn(k, support, query)
    mask = d <= radius * radius
    return jnp.where(mask, idx, idx[:, :, :1])


def _bn(x, g, b, eps=1e-5):
    axes = tuple(range(x.ndim - 1))
    m = jnp.mean(x, axis=axes, keepdims=True)
    v = jnp.var(x, axis=axes, keepdims=True)
    return (x - m) / jnp.sqrt(v + eps) * g + b


def _ln(x, g, b, eps=1e-5):
    m = jnp.mean(x, axis=-1, keepdims=True)
    v = jnp.var(x, axis=-1, keepdims=True)
    return (x - m) / jnp.sqrt(v + eps) * g + b


def _ff(xyz, feat, idx, Wg, bg, Wf, bf):
    g = _sc_gather(jnp.concatenate([_pad16(xyz), feat], axis=-1), idx)
    nx = g[..., :3]
    nf = g[..., 16:]
    rel = nx - xyz[:, :, None, :]
    geo = jax.nn.relu(rel @ Wg + bg)
    h = jax.nn.relu(jnp.concatenate([nf, geo], axis=-1) @ Wf + bf)
    return jnp.max(h, axis=2)


def _agg(xyz1, xyz2, f1, f2, idx, Wq, Wk, Wv, Wgeo, Wo, bo, H):
    B, N2, k = idx.shape
    C = Wq.shape[1]
    dh = C // H
    g = _sc_gather(jnp.concatenate([_pad16(xyz1), f1], axis=-1), idx)
    nx = g[..., :3]
    nf = g[..., 16:]
    rel = nx - xyz2[:, :, None, :]
    kv = nf + rel @ Wgeo
    q = (f2 @ Wq).reshape(B, N2, H, dh)
    kk = (kv @ Wk).reshape(B, N2, k, H, dh)
    v = (kv @ Wv).reshape(B, N2, k, H, dh)
    att = jax.nn.softmax(jnp.einsum('bnhd,bnkhd->bnhk', q, kk) / np.sqrt(dh), axis=-1)
    o = jnp.einsum('bnhk,bnkhd->bnhd', att, v).reshape(B, N2, C)
    return jax.nn.relu(o @ Wo + bo)


def _glob(f, p):
    B, N, C = f.shape
    H = 8
    dh = C // H
    h = _ln(f, p['ln1_g'], p['ln1_b'])
    q = (h @ p['Wqg']).reshape(B, N, H, dh)
    k = (h @ p['Wkg']).reshape(B, N, H, dh)
    v = (h @ p['Wvg']).reshape(B, N, H, dh)
    att = jax.nn.softmax(jnp.einsum('bnhd,bmhd->bhnm', q, k) / np.sqrt(dh), axis=-1)
    o = jnp.einsum('bhnm,bmhd->bnhd', att, v).reshape(B, N, C) @ p['Wog']
    f = f + o
    h = _ln(f, p['ln2_g'], p['ln2_b'])
    f = f + jax.nn.relu(h @ p['Wff1'] + p['bff1']) @ p['Wff2'] + p['bff2']
    return f


def _up(fc, fskip, xyz_c, xyz_f, W1, b1, W2, b2):
    d = _sqdist(xyz_f, xyz_c)
    negd, idx3 = jax.lax.top_k(-d, 3)
    d3 = jnp.maximum(-negd, 1e-10)
    w = 1.0 / d3
    w = w / jnp.sum(w, axis=-1, keepdims=True)
    f3 = _sc_gather(fc, idx3)
    fi = jnp.sum(w[..., None] * f3, axis=2)
    h = jnp.concatenate([fi, fskip], axis=-1)
    h = jax.nn.relu(h @ W1 + b1)
    return jax.nn.relu(h @ W2 + b2)



def _head_body(feat_ref, We1_ref, be1_ref, g1_ref, b1_ref,
               We2_ref, be2_ref, g2_ref, b2_ref,
               We3_ref, be3_ref, g3_ref, b3_ref, out_ref):
    feat = feat_ref[...]

    def bn(x, g, b, eps=1e-5):
        m = jnp.mean(x, axis=(0, 1), keepdims=True)
        v = jnp.mean((x - m) * (x - m), axis=(0, 1), keepdims=True)
        return (x - m) / jnp.sqrt(v + eps) * g + b

    h = jax.nn.relu(bn(feat @ We1_ref[...] + be1_ref[...], g1_ref[...], b1_ref[...]))
    h = jax.nn.relu(bn(h @ We2_ref[...] + be2_ref[...], g2_ref[...], b2_ref[...]))
    h = bn(h @ We3_ref[...] + be3_ref[...], g3_ref[...], b3_ref[...])
    out_ref[...] = jax.nn.log_softmax(h, axis=-1)


def _head(feat, p):
    B, N, _ = feat.shape
    args = (feat, p['We1'], p['be1'], p['g1'], p['b1'],
            p['We2'], p['be2'], p['g2'], p['b2'],
            p['We3'], p['be3'], p['g3'], p['b3'])
    return pl.pallas_call(
        _head_body,
        out_shape=jax.ShapeDtypeStruct((B, N, 13), jnp.float32),
    )(*args)



def kernel(points, params):
    p = params
    xyz = points[..., 0:3]
    xyz2 = xyz[:, ::4]
    xyz3 = xyz2[:, ::4]
    idxs = {
        's0': _knn_tc(32, xyz, xyz, r2=0.01),
        'a0': _knn_tc(16, xyz, xyz2),
        's1': _knn_tc(32, xyz2, xyz2, r2=0.04),
        'a1': _knn_tc(16, xyz2, xyz3),
    }
    feat = jax.nn.relu(_bn(xyz @ p['W_emb'] + p['b_emb'], p['g_emb'], p['be_emb']))
    f1 = _ff_fused(xyz, feat, idxs['s0'], p['Wg0'], p['bg0'], p['Wf0'], p['bf0'])
    enc0 = f1
    f1s = f1[:, ::4]
    feat = _agg(xyz, xyz2, f1, f1s, idxs['a0'], p['Wq0'], p['Wk0'], p['Wv0'], p['Wgeo0'], p['Wo0'], p['bo0'], 4)
    enc1 = feat
    f1b = _ff_fused(xyz2, feat, idxs['s1'], p['Wg1'], p['bg1'], p['Wf1'], p['bf1'])
    f1bs = f1b[:, ::4]
    feat = _agg(xyz2, xyz3, f1b, f1bs, idxs['a1'], p['Wq1'], p['Wk1'], p['Wv1'], p['Wgeo1'], p['Wo1'], p['bo1'], 4)
    feat = _glob(feat, p)
    feat = _up(feat, enc1, xyz3, xyz2, p['Wu0a'], p['bu0a'], p['Wu0b'], p['bu0b'])
    feat = _up(feat, enc0, xyz2, xyz, p['Wu1a'], p['bu1a'], p['Wu1b'], p['bu1b'])
    return _head(feat, p)

# --- scband reference (transcript-rebuilt; emitter-appended) ---
"""Pipeline reference for scband-bridge-netv2-37855841747291 (READ-ONLY COPY).

The authoritative reference and input builder live on the scoring server;
editing this copy changes nothing except your own understanding.
"""

import jax, jax.numpy as jnp
import numpy as np


def _gather(x, idx):
    return jax.vmap(lambda xb, ib: xb[ib])(x, idx)


def _sqdist(a, b):
    aa = jnp.sum(a * a, axis=-1)[:, :, None]
    bb = jnp.sum(b * b, axis=-1)[:, None, :]
    ab = jnp.einsum('bnc,bmc->bnm', a, b)
    return jnp.maximum(aa + bb - 2.0 * ab, 0.0)


def _knn(k, support, query):
    d = _sqdist(query, support)
    negd, idx = jax.lax.top_k(-d, k)
    return idx, -negd


def _ball_query(radius, k, support, query):
    idx, d = _knn(k, support, query)
    mask = d <= radius * radius
    return jnp.where(mask, idx, idx[:, :, :1])


def _bn(x, g, b, eps=1e-5):
    axes = tuple(range(x.ndim - 1))
    m = jnp.mean(x, axis=axes, keepdims=True)
    v = jnp.var(x, axis=axes, keepdims=True)
    return (x - m) / jnp.sqrt(v + eps) * g + b


def _ln(x, g, b, eps=1e-5):
    m = jnp.mean(x, axis=-1, keepdims=True)
    v = jnp.var(x, axis=-1, keepdims=True)
    return (x - m) / jnp.sqrt(v + eps) * g + b


def _ff(xyz, feat, idx, Wg, bg, Wf, bf):
    nx = _gather(xyz, idx)
    rel = nx - xyz[:, :, None, :]
    geo = jax.nn.relu(rel @ Wg + bg)
    nf = _gather(feat, idx)
    h = jax.nn.relu(jnp.concatenate([nf, geo], axis=-1) @ Wf + bf)
    return jnp.max(h, axis=2)


def _agg(xyz1, xyz2, f1, f2, idx, Wq, Wk, Wv, Wgeo, Wo, bo, H):
    B, N2, k = idx.shape
    C = Wq.shape[1]
    dh = C // H
    nf = _gather(f1, idx)
    nx = _gather(xyz1, idx)
    rel = nx - xyz2[:, :, None, :]
    kv = nf + rel @ Wgeo
    q = (f2 @ Wq).reshape(B, N2, H, dh)
    kk = (kv @ Wk).reshape(B, N2, k, H, dh)
    v = (kv @ Wv).reshape(B, N2, k, H, dh)
    att = jax.nn.softmax(jnp.einsum('bnhd,bnkhd->bnhk', q, kk) / np.sqrt(dh), axis=-1)
    o = jnp.einsum('bnhk,bnkhd->bnhd', att, v).reshape(B, N2, C)
    return jax.nn.relu(o @ Wo + bo)


def _glob(f, p):
    B, N, C = f.shape
    H = 8
    dh = C // H
    h = _ln(f, p['ln1_g'], p['ln1_b'])
    q = (h @ p['Wqg']).reshape(B, N, H, dh)
    k = (h @ p['Wkg']).reshape(B, N, H, dh)
    v = (h @ p['Wvg']).reshape(B, N, H, dh)
    att = jax.nn.softmax(jnp.einsum('bnhd,bmhd->bhnm', q, k) / np.sqrt(dh), axis=-1)
    o = jnp.einsum('bhnm,bmhd->bnhd', att, v).reshape(B, N, C) @ p['Wog']
    f = f + o
    h = _ln(f, p['ln2_g'], p['ln2_b'])
    f = f + jax.nn.relu(h @ p['Wff1'] + p['bff1']) @ p['Wff2'] + p['bff2']
    return f


def _up(fc, fskip, xyz_c, xyz_f, W1, b1, W2, b2):
    d = _sqdist(xyz_f, xyz_c)
    negd, idx3 = jax.lax.top_k(-d, 3)
    d3 = jnp.maximum(-negd, 1e-10)
    w = 1.0 / d3
    w = w / jnp.sum(w, axis=-1, keepdims=True)
    f3 = _gather(fc, idx3)
    fi = jnp.sum(w[..., None] * f3, axis=2)
    h = jnp.concatenate([fi, fskip], axis=-1)
    h = jax.nn.relu(h @ W1 + b1)
    return jax.nn.relu(h @ W2 + b2)


def _indices(points):
    xyz = points[..., 0:3]
    xyz2 = xyz[:, ::4]
    xyz3 = xyz2[:, ::4]
    return {
        's0': _ball_query(0.1, 32, xyz, xyz),
        'a0': _knn(16, xyz, xyz2)[0],
        's1': _ball_query(0.2, 32, xyz2, xyz2),
        'a1': _knn(16, xyz2, xyz3)[0],
    }


def _forward(points, p, idxs):
    xyz = points[..., 0:3]
    xyz2 = xyz[:, ::4]
    xyz3 = xyz2[:, ::4]
    feat = jax.nn.relu(_bn(xyz @ p['W_emb'] + p['b_emb'], p['g_emb'], p['be_emb']))
    f1 = _ff(xyz, feat, idxs['s0'], p['Wg0'], p['bg0'], p['Wf0'], p['bf0'])
    enc0 = f1
    f1s = f1[:, ::4]
    feat = _agg(xyz, xyz2, f1, f1s, idxs['a0'], p['Wq0'], p['Wk0'], p['Wv0'], p['Wgeo0'], p['Wo0'], p['bo0'], 4)
    enc1 = feat
    f1b = _ff(xyz2, feat, idxs['s1'], p['Wg1'], p['bg1'], p['Wf1'], p['bf1'])
    f1bs = f1b[:, ::4]
    feat = _agg(xyz2, xyz3, f1b, f1bs, idxs['a1'], p['Wq1'], p['Wk1'], p['Wv1'], p['Wgeo1'], p['Wo1'], p['bo1'], 4)
    feat = _glob(feat, p)
    feat = _up(feat, enc1, xyz3, xyz2, p['Wu0a'], p['bu0a'], p['Wu0b'], p['bu0b'])
    feat = _up(feat, enc0, xyz2, xyz, p['Wu1a'], p['bu1a'], p['Wu1b'], p['bu1b'])
    h = jax.nn.relu(_bn(feat @ p['We1'] + p['be1'], p['g1'], p['b1']))
    h = jax.nn.relu(_bn(h @ p['We2'] + p['be2'], p['g2'], p['b2']))
    h = _bn(h @ p['We3'] + p['be3'], p['g3'], p['b3'])
    return jax.nn.log_softmax(h, axis=-1)


def setup_inputs(seed: int = 0):
    key = jax.random.key(seed)
    keys = jax.random.split(key, 80)
    ki = iter(range(80))
    def W(*s):
        return jax.random.normal(keys[next(ki)], s, dtype=jnp.float32) * 0.05
    points = jax.random.uniform(keys[next(ki)], (4, 4096, 3), dtype=jnp.float32)
    z = lambda n: jnp.zeros((n,), dtype=jnp.float32)
    o = lambda n: jnp.ones((n,), dtype=jnp.float32)
    p = {
        'W_emb': W(3, 64), 'b_emb': z(64), 'g_emb': o(64), 'be_emb': z(64),
        'Wg0': W(3, 16), 'bg0': z(16), 'Wf0': W(80, 64), 'bf0': z(64),
        'Wq0': W(64, 64), 'Wk0': W(64, 64), 'Wv0': W(64, 64), 'Wgeo0': W(3, 64), 'Wo0': W(64, 128), 'bo0': z(128),
        'Wg1': W(3, 16), 'bg1': z(16), 'Wf1': W(144, 128), 'bf1': z(128),
        'Wq1': W(128, 128), 'Wk1': W(128, 128), 'Wv1': W(128, 128), 'Wgeo1': W(3, 128), 'Wo1': W(128, 256), 'bo1': z(256),
        'ln1_g': o(256), 'ln1_b': z(256), 'Wqg': W(256, 256), 'Wkg': W(256, 256), 'Wvg': W(256, 256), 'Wog': W(256, 256),
        'ln2_g': o(256), 'ln2_b': z(256), 'Wff1': W(256, 512), 'bff1': z(512), 'Wff2': W(512, 256), 'bff2': z(256),
        'Wu0a': W(384, 256), 'bu0a': z(256), 'Wu0b': W(256, 128), 'bu0b': z(128),
        'Wu1a': W(192, 128), 'bu1a': z(128), 'Wu1b': W(128, 128), 'bu1b': z(128),
        'We1': W(128, 256), 'be1': z(256), 'g1': o(256), 'b1': z(256),
        'We2': W(256, 128), 'be2': z(128), 'g2': o(128), 'b2': z(128),
        'We3': W(128, 13), 'be3': z(13), 'g3': o(13), 'b3': z(13),
    }
    return {'points': points, 'params': p}


def reference(points, params):
    idxs = _indices(points)
    return _forward(points, params, idxs)

if __name__ == "__main__":
    import jax
    _d = setup_inputs()
    print(jax.jit(kernel)(*tuple(_d.values())))

</pallas_src>

<mosaic_0001>
#map = affine_map<(d0, d1) -> (0, 0)>
#map1 = affine_map<(d0, d1) -> (0)>
module attributes {stable_mosaic.version = 14 : i64} {
  func.func @k(%arg0: i32, %arg1: i32, %arg2: memref<16384x128xf32, #tpu.memory_space<hbm>>, %arg3: memref<524288xi32, #tpu.memory_space<hbm>>, %arg4: memref<524288x128xf32, #tpu.memory_space<hbm>>, %arg5: memref<128xi32, #tpu.memory_space<vmem>>, %arg6: memref<128x128xf32, #tpu.memory_space<vmem>>, %arg7: memref<!tpu.dma_semaphore, #tpu.memory_space<semaphore_mem>>) attributes {dimension_semantics = [#tpu.dimension_semantics<core_parallel>, #tpu.dimension_semantics<subcore_parallel>], iteration_bounds = array<i64: 2, 16>, scalar_prefetch = 0 : i64, scratch_operands = 3 : i64, tpu.core_type = #tpu.core_type<sc_vector_subcore>, window_params = [{transform_indices = #map}, {transform_indices = #map1}, {transform_indices = #map}]} {
    %mul3A = arith.constant 2 : i32
    %mul3A_0 = arith.muli %arg1, %mul3A : i32
    %add3A = arith.addi %mul3A_0, %arg0 : i32
    %mul3A_1 = arith.constant 16384 : i32
    %mul3A_2 = arith.muli %add3A, %mul3A_1 : i32
    %scan3A = arith.constant 0 : i32
    %scan3A_3 = arith.constant 0 : i32
    %scan3A_4 = arith.constant 128 : i32
    %scan3A_5 = arith.addi %scan3A_3, %scan3A_4 : i32
    %scan3A_6 = arith.constant 1 : i32
    scf.for %scan3A_8 = %scan3A_3 to %scan3A_5 step %scan3A_6  : i32 {
      %mul3A_9 = arith.constant 128 : i32
      %mul3A_10 = arith.muli %scan3A_8, %mul3A_9 : i32
      %add3A_11 = arith.addi %mul3A_2, %mul3A_10 : i32
      "tpu.region"() ({
        %run_scoped3A = tpu.sem_alloc : memref<!tpu.dma_semaphore, #tpu.memory_space<semaphore_mem>>
        %dma_start3A_16 = tpu.memref_slice %arg3[%add3A_11] : memref<524288xi32, #tpu.memory_space<hbm>> -> memref<128xi32, #tpu.memory_space<hbm>>
        %dma_start3A_17 = tpu.memref_slice %arg3[%add3A_11] : memref<524288xi32, #tpu.memory_space<hbm>> -> memref<128xi32, #tpu.memory_space<hbm>>
        tpu.enqueue_dma source(%dma_start3A_17 : memref<128xi32, #tpu.memory_space<hbm>>) target(%arg5 : memref<128xi32, #tpu.memory_space<vmem>>) target_semaphore(%run_scoped3A : memref<!tpu.dma_semaphore, #tpu.memory_space<semaphore_mem>>)
        %dma_wait3A_18 = tpu.memref_slice %arg3[%add3A_11] : memref<524288xi32, #tpu.memory_space<hbm>> -> memref<128xi32, #tpu.memory_space<hbm>>
        %dma_wait3A_19 = tpu.memref_slice %arg3[%add3A_11] : memref<524288xi32, #tpu.memory_space<hbm>> -> memref<128xi32, #tpu.memory_space<hbm>>
        tpu.wait_dma2 semaphore(%run_scoped3A : memref<!tpu.dma_semaphore, #tpu.memory_space<semaphore_mem>>) src(%dma_wait3A_19 : memref<128xi32, #tpu.memory_space<hbm>>) dst(%arg5 : memref<128xi32, #tpu.memory_space<vmem>>)
        tpu.yield
      }) : () -> ()
      %dma_start3A = arith.constant 0 : i32
      %dma_start3A_12 = arith.constant 0 : i32
      %dma_start3A_13 = tpu.memref_slice %arg2[%dma_start3A, %dma_start3A_12] : memref<16384x128xf32, #tpu.memory_space<hbm>> -> memref<16384x128xf32, #tpu.memory_space<hbm>>
      tpu.enqueue_indirect_dma source(%dma_start3A_13 : memref<16384x128xf32, #tpu.memory_space<hbm>>) target(%arg6 : memref<128x128xf32, #tpu.memory_space<vmem>>) offsets(%arg5 : memref<128xi32, #tpu.memory_space<vmem>>) semaphore(%arg7 : memref<!tpu.dma_semaphore, #tpu.memory_space<semaphore_mem>>)
      %dma_wait3A = arith.constant 0 : i32
      %dma_wait3A_14 = arith.constant 0 : i32
      %dma_wait3A_15 = tpu.memref_slice %arg2[%dma_wait3A, %dma_wait3A_14] : memref<16384x128xf32, #tpu.memory_space<hbm>> -> memref<16384x128xf32, #tpu.memory_space<hbm>>
      tpu.wait_indirect_dma semaphore(%arg7 : memref<!tpu.dma_semaphore, #tpu.memory_space<semaphore_mem>>) src(%dma_wait3A_15 : memref<16384x128xf32, #tpu.memory_space<hbm>>) dst(%arg6 : memref<128x128xf32, #tpu.memory_space<vmem>>)
      "tpu.region"() ({
        %run_scoped3A = tpu.sem_alloc : memref<!tpu.dma_semaphore, #tpu.memory_space<semaphore_mem>>
        %dma_start3A_16 = arith.constant 0 : i32
        %dma_start3A_17 = tpu.memref_slice %arg4[%add3A_11, %dma_start3A_16] : memref<524288x128xf32, #tpu.memory_space<hbm>> -> memref<128x128xf32, #tpu.memory_space<hbm>>
        %dma_start3A_18 = arith.constant 0 : i32
        %dma_start3A_19 = tpu.memref_slice %arg4[%add3A_11, %dma_start3A_18] : memref<524288x128xf32, #tpu.memory_space<hbm>> -> memref<128x128xf32, #tpu.memory_space<hbm>>
        tpu.enqueue_dma source(%arg6 : memref<128x128xf32, #tpu.memory_space<vmem>>) target(%dma_start3A_19 : memref<128x128xf32, #tpu.memory_space<hbm>>) target_semaphore(%run_scoped3A : memref<!tpu.dma_semaphore, #tpu.memory_space<semaphore_mem>>)
        %dma_wait3A_20 = arith.constant 0 : i32
        %dma_wait3A_21 = tpu.memref_slice %arg4[%add3A_11, %dma_wait3A_20] : memref<524288x128xf32, #tpu.memory_space<hbm>> -> memref<128x128xf32, #tpu.memory_space<hbm>>
        %dma_wait3A_22 = arith.constant 0 : i32
        %dma_wait3A_23 = tpu.memref_slice %arg4[%add3A_11, %dma_wait3A_22] : memref<524288x128xf32, #tpu.memory_space<hbm>> -> memref<128x128xf32, #tpu.memory_space<hbm>>
        tpu.wait_dma2 semaphore(%run_scoped3A : memref<!tpu.dma_semaphore, #tpu.memory_space<semaphore_mem>>) src(%arg6 : memref<128x128xf32, #tpu.memory_space<vmem>>) dst(%dma_wait3A_23 : memref<128x128xf32, #tpu.memory_space<hbm>>)
        tpu.yield
      }) : () -> ()
    }
    %scan3A_7 = arith.constant 128 : i32
    return
  }
}

#map = affine_map<(d0, d1) -> (0, 0)>
#map1 = affine_map<(d0, d1) -> (0)>
module attributes {stable_mosaic.version = 14 : i64} {
  func.func @k(%arg0: i32, %arg1: i32, %arg2: memref<4096x256xf32, #tpu.memory_space<hbm>>, %arg3: memref<131072xi32, #tpu.memory_space<hbm>>, %arg4: memref<131072x256xf32, #tpu.memory_space<hbm>>, %arg5: memref<128xi32, #tpu.memory_space<vmem>>, %arg6: memref<128x256xf32, #tpu.memory_space<vmem>>, %arg7: memref<!tpu.dma_semaphore, #tpu.memory_space<semaphore_mem>>) attributes {dimension_semantics = [#tpu.dimension_semantics<core_parallel>, #tpu.dimension_semantics<subcore_parallel>], iteration_bounds = array<i64: 2, 16>, scalar_prefetch = 0 : i64, scratch_operands = 3 : i64, tpu.core_type = #tpu.core_type<sc_vector_subcore>, window_params = [{transform_indices = #map}, {transform_indices = #map1}, {transform_indices = #map}]} {
    %mul3A = arith.constant 2 : i32
    %mul3A_0 = arith.muli %arg1, %mul3A : i32
    %add3A = arith.addi %mul3A_0, %arg0 : i32
    %mul3A_1 = arith.constant 4096 : i32
    %mul3A_2 = arith.muli %add3A, %mul3A_1 : i32
    %scan3A = arith.constant 0 : i32
    %scan3A_3 = arith.constant 0 : i32
    %scan3A_4 = arith.constant 32 : i32
    %scan3A_5 = arith.addi %scan3A_3, %scan3A_4 : i32
    %scan3A_6 = arith.constant 1 : i32
    scf.for %scan3A_8 = %scan3A_3 to %scan3A_5 step %scan3A_6  : i32 {
      %mul3A_9 = arith.constant 128 : i32
      %mul3A_10 = arith.muli %scan3A_8, %mul3A_9 : i32
      %add3A_11 = arith.addi %mul3A_2, %mul3A_10 : i32
      "tpu.region"() ({
        %run_scoped3A = tpu.sem_alloc : memref<!tpu.dma_semaphore, #tpu.memory_space<semaphore_mem>>
        %dma_start3A_16 = tpu.memref_slice %arg3[%add3A_11] : memref<131072xi32, #tpu.memory_space<hbm>> -> memref<128xi32, #tpu.memory_space<hbm>>
        %dma_start3A_17 = tpu.memref_slice %arg3[%add3A_11] : memref<131072xi32, #tpu.memory_space<hbm>> -> memref<128xi32, #tpu.memory_space<hbm>>
        tpu.enqueue_dma source(%dma_start3A_17 : memref<128xi32, #tpu.memory_space<hbm>>) target(%arg5 : memref<128xi32, #tpu.memory_space<vmem>>) target_semaphore(%run_scoped3A : memref<!tpu.dma_semaphore, #tpu.memory_space<semaphore_mem>>)
        %dma_wait3A_18 = tpu.memref_slice %arg3[%add3A_11] : memref<131072xi32, #tpu.memory_space<hbm>> -> memref<128xi32, #tpu.memory_space<hbm>>
        %dma_wait3A_19 = tpu.memref_slice %arg3[%add3A_11] : memref<131072xi32, #tpu.memory_space<hbm>> -> memref<128xi32, #tpu.memory_space<hbm>>
        tpu.wait_dma2 semaphore(%run_scoped3A : memref<!tpu.dma_semaphore, #tpu.memory_space<semaphore_mem>>) src(%dma_wait3A_19 : memref<128xi32, #tpu.memory_space<hbm>>) dst(%arg5 : memref<128xi32, #tpu.memory_space<vmem>>)
        tpu.yield
      }) : () -> ()
      %dma_start3A = arith.constant 0 : i32
      %dma_start3A_12 = arith.constant 0 : i32
      %dma_start3A_13 = tpu.memref_slice %arg2[%dma_start3A, %dma_start3A_12] : memref<4096x256xf32, #tpu.memory_space<hbm>> -> memref<4096x256xf32, #tpu.memory_space<hbm>>
      tpu.enqueue_indirect_dma source(%dma_start3A_13 : memref<4096x256xf32, #tpu.memory_space<hbm>>) target(%arg6 : memref<128x256xf32, #tpu.memory_space<vmem>>) offsets(%arg5 : memref<128xi32, #tpu.memory_space<vmem>>) semaphore(%arg7 : memref<!tpu.dma_semaphore, #tpu.memory_space<semaphore_mem>>)
      %dma_wait3A = arith.constant 0 : i32
      %dma_wait3A_14 = arith.constant 0 : i32
      %dma_wait3A_15 = tpu.memref_slice %arg2[%dma_wait3A, %dma_wait3A_14] : memref<4096x256xf32, #tpu.memory_space<hbm>> -> memref<4096x256xf32, #tpu.memory_space<hbm>>
      tpu.wait_indirect_dma semaphore(%arg7 : memref<!tpu.dma_semaphore, #tpu.memory_space<semaphore_mem>>) src(%dma_wait3A_15 : memref<4096x256xf32, #tpu.memory_space<hbm>>) dst(%arg6 : memref<128x256xf32, #tpu.memory_space<vmem>>)
      "tpu.region"() ({
        %run_scoped3A = tpu.sem_alloc : memref<!tpu.dma_semaphore, #tpu.memory_space<semaphore_mem>>
        %dma_start3A_16 = arith.constant 0 : i32
        %dma_start3A_17 = tpu.memref_slice %arg4[%add3A_11, %dma_start3A_16] : memref<131072x256xf32, #tpu.memory_space<hbm>> -> memref<128x256xf32, #tpu.memory_space<hbm>>
        %dma_start3A_18 = arith.constant 0 : i32
        %dma_start3A_19 = tpu.memref_slice %arg4[%add3A_11, %dma_start3A_18] : memref<131072x256xf32, #tpu.memory_space<hbm>> -> memref<128x256xf32, #tpu.memory_space<hbm>>
        tpu.enqueue_dma source(%arg6 : memref<128x256xf32, #tpu.memory_space<vmem>>) target(%dma_start3A_19 : memref<128x256xf32, #tpu.memory_space<hbm>>) target_semaphore(%run_scoped3A : memref<!tpu.dma_semaphore, #tpu.memory_space<semaphore_mem>>)
        %dma_wait3A_20 = arith.constant 0 : i32
        %dma_wait3A_21 = tpu.memref_slice %arg4[%add3A_11, %dma_wait3A_20] : memref<131072x256xf32, #tpu.memory_space<hbm>> -> memref<128x256xf32, #tpu.memory_space<hbm>>
        %dma_wait3A_22 = arith.constant 0 : i32
        %dma_wait3A_23 = tpu.memref_slice %arg4[%add3A_11, %dma_wait3A_22] : memref<131072x256xf32, #tpu.memory_space<hbm>> -> memref<128x256xf32, #tpu.memory_space<hbm>>
        tpu.wait_dma2 semaphore(%run_scoped3A : memref<!tpu.dma_semaphore, #tpu.memory_space<semaphore_mem>>) src(%arg6 : memref<128x256xf32, #tpu.memory_space<vmem>>) dst(%dma_wait3A_23 : memref<128x256xf32, #tpu.memory_space<hbm>>)
        tpu.yield
      }) : () -> ()
    }
    %scan3A_7 = arith.constant 32 : i32
    return
  }
}

module attributes {stable_mosaic.version = 14 : i64} {
  func.func @body(%arg0: i32, %arg1: i32, %arg2: memref<1x256x3xf32, #tpu.memory_space<vmem>>, %arg3: memref<1x4096x3xf32, #tpu.memory_space<vmem>>, %arg4: memref<1x1x4096xf32, #tpu.memory_space<vmem>>, %arg5: memref<1x256x32xi32, #tpu.memory_space<vmem>>, %arg6: memref<256x4096xf32, #tpu.memory_space<vmem>>) attributes {dimension_semantics = [#tpu.dimension_semantics<arbitrary>, #tpu.dimension_semantics<arbitrary>], iteration_bounds = array<i64: 4, 16>, scalar_prefetch = 0 : i64, scratch_operands = 1 : i64, tpu.core_type = #tpu.core_type<tc>, window_params = [{transform_indices = @transform_0, window_bounds = array<i64: 1, 256, 3>}, {transform_indices = @transform_1, window_bounds = array<i64: 1, 4096, 3>}, {transform_indices = @transform_2, window_bounds = array<i64: 1, 1, 4096>}, {transform_indices = @transform_3, window_bounds = array<i64: 1, 256, 32>}]} {
    %get3A = arith.constant 0 : index
    %get3A_0 = arith.constant 0 : index
    %get3A_1 = arith.constant 0 : index
    %get3A_2 = vector.load %arg2[%get3A, %get3A_0, %get3A_1] : memref<1x256x3xf32, #tpu.memory_space<vmem>>, vector<1x256x3xf32>
    %get3A_3 = vector.shape_cast %get3A_2 : vector<1x256x3xf32> to vector<256x3xf32>
    %get3A_4 = arith.constant 0 : index
    %get3A_5 = arith.constant 0 : index
    %get3A_6 = arith.constant 0 : index
    %get3A_7 = vector.load %arg3[%get3A_4, %get3A_5, %get3A_6] : memref<1x4096x3xf32, #tpu.memory_space<vmem>>, vector<1x4096x3xf32>
    %get3A_8 = vector.shape_cast %get3A_7 : vector<1x4096x3xf32> to vector<4096x3xf32>
    %get3A_9 = arith.constant 0 : index
    %get3A_10 = arith.constant 0 : index
    %get3A_11 = arith.constant 0 : index
    %get3A_12 = vector.load %arg4[%get3A_9, %get3A_10, %get3A_11] : memref<1x1x4096xf32, #tpu.memory_space<vmem>>, vector<1x1x4096xf32>
    %get3A_13 = vector.shape_cast %get3A_12 : vector<1x1x4096xf32> to vector<1x4096xf32>
    %dot_general3A = arith.constant dense<0.000000e+00> : vector<256x4096xf32>
    %dot_general3A_14 = tpu.matmul %get3A_3, %get3A_8, %dot_general3A {dimension_numbers = #tpu.dot_dimension_numbers<[1], [1], [0], [0], [0, 0, 1, 0], [], []>, transpose_lhs_hint = false} : vector<256x3xf32>, vector<4096x3xf32>, vector<256x4096xf32> -> vector<256x4096xf32>
    %mul3A = arith.mulf %get3A_3, %get3A_3 : vector<256x3xf32>
    %reduce_sum3A = arith.constant dense<0.000000e+00> : vector<256xf32>
    %reduce_sum3A_15 = vector.multi_reduction <add>, %mul3A, %reduce_sum3A [1] : vector<256x3xf32> to vector<256xf32>
    %broadcast_in_dim3A = vector.shape_cast %reduce_sum3A_15 : vector<256xf32> to vector<256x1xf32>
    %add3A = vector.broadcast %broadcast_in_dim3A : vector<256x1xf32> to vector<256x4096xf32>
    %add3A_16 = vector.broadcast %get3A_13 : vector<1x4096xf32> to vector<256x4096xf32>
    %add3A_17 = arith.addf %add3A, %add3A_16 : vector<256x4096xf32>
    %mul3A_18 = arith.constant 2.000000e+00 : f32
    %mul3A_19 = vector.broadcast %mul3A_18 : f32 to vector<256x4096xf32>
    %mul3A_20 = arith.mulf %mul3A_19, %dot_general3A_14 : vector<256x4096xf32>
    %sub3A = arith.subf %add3A_17, %mul3A_20 : vector<256x4096xf32>
    %max3A = arith.constant 0.000000e+00 : f32
    %max3A_21 = vector.broadcast %max3A : f32 to vector<256x4096xf32>
    %max3A_22 = arith.maximumf %sub3A, %max3A_21 : vector<256x4096xf32>
    %swap3A = arith.constant 0 : index
    %swap3A_23 = arith.constant 0 : index
    %swap3A_24 = vector.load %arg6[%swap3A, %swap3A_23] : memref<256x4096xf32, #tpu.memory_space<vmem>>, vector<256x4096xf32>
    tpu.vector_store %arg6[%swap3A, %swap3A_23], %max3A_22 {strides = array<i32>} : memref<256x4096xf32, #tpu.memory_space<vmem>>, vector<256x4096xf32>,
    %iota3A = tpu.iota {dimensions = array<i32: 1>} : vector<256x4096xi32>
    %iota3A_25 = tpu.iota {dimensions = array<i32: 1>} : vector<256x32xi32>
    %broadcast_in_dim3A_26 = arith.constant 0 : i32
    %broadcast_in_dim3A_27 = vector.broadcast %broadcast_in_dim3A_26 : i32 to vector<256x1xi32>
    %broadcast_in_dim3A_28 = arith.constant 0 : i32
    %broadcast_in_dim3A_29 = vector.broadcast %broadcast_in_dim3A_28 : i32 to vector<256x32xi32>
    %scan3A = arith.constant 0 : i32
    %scan3A_30 = arith.constant 32 : i32
    %scan3A_31 = arith.addi %scan3A, %scan3A_30 : i32
    %scan3A_32 = arith.constant 1 : i32
    %scan3A_33:2 = scf.for %scan3A_41 = %scan3A to %scan3A_31 step %scan3A_32 iter_args(%scan3A_42 = %broadcast_in_dim3A_27, %scan3A_43 = %broadcast_in_dim3A_29) -> (vector<256x1xi32>, vector<256x32xi32>)  : i32 {
      %get3A_44 = arith.constant 0 : index
      %get3A_45 = arith.constant 0 : index
      %get3A_46 = vector.load %arg6[%get3A_44, %get3A_45] : memref<256x4096xf32, #tpu.memory_space<vmem>>, vector<256x4096xf32>
      %reduce_min3A = arith.constant dense<0x7F800000> : vector<256xf32>
      %reduce_min3A_47 = vector.multi_reduction <minimumf>, %get3A_46, %reduce_min3A [1] : vector<256x4096xf32> to vector<256xf32>
      %broadcast_in_dim3A_48 = vector.shape_cast %reduce_min3A_47 : vector<256xf32> to vector<256x1xf32>
      %le3A = vector.broadcast %broadcast_in_dim3A_48 : vector<256x1xf32> to vector<256x4096xf32>
      %le3A_49 = arith.cmpf ole, %get3A_46, %le3A : vector<256x4096xf32>
      %jit3A = arith.constant 4096 : i32
      %broadcast_in_dim3A_50 = vector.broadcast %jit3A : i32 to vector<256x4096xi32>
      %select_n3A = arith.select %le3A_49, %iota3A, %broadcast_in_dim3A_50 : vector<256x4096xi1>, vector<256x4096xi32>
      %reduce_min3A_51 = arith.constant dense<2147483647> : vector<256xi32>
      %reduce_min3A_52 = vector.multi_reduction <minsi>, %select_n3A, %reduce_min3A_51 [1] : vector<256x4096xi32> to vector<256xi32>
      %broadcast_in_dim3A_53 = vector.shape_cast %reduce_min3A_52 : vector<256xi32> to vector<256x1xi32>
      %eq3A = arith.constant 0 : i32
      %eq3A_54 = arith.cmpi eq, %scan3A_41, %eq3A : i32
      %select_n3A_55 = arith.select %eq3A_54, %broadcast_in_dim3A_53, %scan3A_42 : vector<256x1xi32>
      %le3A_56 = arith.constant 0.00999999977 : f32
      %le3A_57 = vector.broadcast %le3A_56 : f32 to vector<256x1xf32>
      %le3A_58 = arith.cmpf ole, %broadcast_in_dim3A_48, %le3A_57 : vector<256x1xf32>
      %select_n3A_59 = arith.select %le3A_58, %broadcast_in_dim3A_53, %select_n3A_55 : vector<256x1xi1>, vector<256x1xi32>
      %eq3A_60 = vector.broadcast %scan3A_41 : i32 to vector<256x32xi32>
      %eq3A_61 = arith.cmpi eq, %iota3A_25, %eq3A_60 : vector<256x32xi32>
      %broadcast_in_dim3A_62 = vector.shape_cast %select_n3A_59 : vector<256x1xi32> to vector<256x1xi32>
      %broadcast_in_dim3A_63 = vector.broadcast %broadcast_in_dim3A_62 : vector<256x1xi32> to vector<256x32xi32>
      %select_n3A_64 = arith.select %eq3A_61, %broadcast_in_dim3A_63, %scan3A_43 : vector<256x32xi1>, vector<256x32xi32>
      %eq3A_65 = vector.broadcast %broadcast_in_dim3A_53 : vector<256x1xi32> to vector<256x4096xi32>
      %eq3A_66 = arith.cmpi eq, %select_n3A, %eq3A_65 : vector<256x4096xi32>
      %jit3A_67 = arith.constant 0x7F800000 : f32
      %broadcast_in_dim3A_68 = vector.broadcast %jit3A_67 : f32 to vector<256x4096xf32>
      %select_n3A_69 = arith.select %eq3A_66, %broadcast_in_dim3A_68, %get3A_46 : vector<256x4096xi1>, vector<256x4096xf32>
      %swap3A_70 = arith.constant 0 : index
      %swap3A_71 = arith.constant 0 : index
      %swap3A_72 = vector.load %arg6[%swap3A_70, %swap3A_71] : memref<256x4096xf32, #tpu.memory_space<vmem>>, vector<256x4096xf32>
      tpu.vector_store %arg6[%swap3A_70, %swap3A_71], %select_n3A_69 {strides = array<i32>} : memref<256x4096xf32, #tpu.memory_space<vmem>>, vector<256x4096xf32>,
      scf.yield %select_n3A_55, %select_n3A_64 : vector<256x1xi32>, vector<256x32xi32>
    }
    %scan3A_34 = arith.constant 32 : i32
    %swap3A_35 = arith.constant 0 : index
    %swap3A_36 = arith.constant 0 : index
    %swap3A_37 = arith.constant 0 : index
    %swap3A_38 = vector.load %arg5[%swap3A_35, %swap3A_36, %swap3A_37] : memref<1x256x32xi32, #tpu.memory_space<vmem>>, vector<1x256x32xi32>
    %swap3A_39 = vector.shape_cast %swap3A_38 : vector<1x256x32xi32> to vector<256x32xi32>
    %swap3A_40 = vector.shape_cast %scan3A_33#1 : vector<256x32xi32> to vector<1x256x32xi32>
    tpu.vector_store %arg5[%swap3A_35, %swap3A_36, %swap3A_37], %swap3A_40 {strides = array<i32>} : memref<1x256x32xi32, #tpu.memory_space<vmem>>, vector<1x256x32xi32>,
    return
  }
  func.func @transform_0(%arg0: i32, %arg1: i32) -> (i32, i32, i32) {
    %c0_i32 = arith.constant 0 : i32
    %c0_i32_0 = arith.constant 0 : i32
    return %arg0, %arg1, %c0_i32 : i32, i32, i32
  }
  func.func @transform_1(%arg0: i32, %arg1: i32) -> (i32, i32, i32) {
    %c0_i32 = arith.constant 0 : i32
    %c0_i32_0 = arith.constant 0 : i32
    %c0_i32_1 = arith.constant 0 : i32
    return %arg0, %c0_i32, %c0_i32_0 : i32, i32, i32
  }
  func.func @transform_2(%arg0: i32, %arg1: i32) -> (i32, i32, i32) {
    %c0_i32 = arith.constant 0 : i32
    %c0_i32_0 = arith.constant 0 : i32
    %c0_i32_1 = arith.constant 0 : i32
    return %arg0, %c0_i32, %c0_i32_0 : i32, i32, i32
  }
  func.func @transform_3(%arg0: i32, %arg1: i32) -> (i32, i32, i32) {
    %c0_i32 = arith.constant 0 : i32
    %c0_i32_0 = arith.constant 0 : i32
    return %arg0, %arg1, %c0_i32 : i32, i32, i32
  }
}

module attributes {stable_mosaic.version = 14 : i64} {
  func.func @body(%arg0: i32, %arg1: i32, %arg2: memref<1x256x3xf32, #tpu.memory_space<vmem>>, %arg3: memref<1x4096x3xf32, #tpu.memory_space<vmem>>, %arg4: memref<1x1x4096xf32, #tpu.memory_space<vmem>>, %arg5: memref<1x256x16xi32, #tpu.memory_space<vmem>>, %arg6: memref<256x4096xf32, #tpu.memory_space<vmem>>) attributes {dimension_semantics = [#tpu.dimension_semantics<arbitrary>, #tpu.dimension_semantics<arbitrary>], iteration_bounds = array<i64: 4, 4>, scalar_prefetch = 0 : i64, scratch_operands = 1 : i64, tpu.core_type = #tpu.core_type<tc>, window_params = [{transform_indices = @transform_0, window_bounds = array<i64: 1, 256, 3>}, {transform_indices = @transform_1, window_bounds = array<i64: 1, 4096, 3>}, {transform_indices = @transform_2, window_bounds = array<i64: 1, 1, 4096>}, {transform_indices = @transform_3, window_bounds = array<i64: 1, 256, 16>}]} {
    %get3A = arith.constant 0 : index
    %get3A_0 = arith.constant 0 : index
    %get3A_1 = arith.constant 0 : index
    %get3A_2 = vector.load %arg2[%get3A, %get3A_0, %get3A_1] : memref<1x256x3xf32, #tpu.memory_space<vmem>>, vector<1x256x3xf32>
    %get3A_3 = vector.shape_cast %get3A_2 : vector<1x256x3xf32> to vector<256x3xf32>
    %get3A_4 = arith.constant 0 : index
    %get3A_5 = arith.constant 0 : index
    %get3A_6 = arith.constant 0 : index
    %get3A_7 = vector.load %arg3[%get3A_4, %get3A_5, %get3A_6] : memref<1x4096x3xf32, #tpu.memory_space<vmem>>, vector<1x4096x3xf32>
    %get3A_8 = vector.shape_cast %get3A_7 : vector<1x4096x3xf32> to vector<4096x3xf32>
    %get3A_9 = arith.constant 0 : index
    %get3A_10 = arith.constant 0 : index
    %get3A_11 = arith.constant 0 : index
    %get3A_12 = vector.load %arg4[%get3A_9, %get3A_10, %get3A_11] : memref<1x1x4096xf32, #tpu.memory_space<vmem>>, vector<1x1x4096xf32>
    %get3A_13 = vector.shape_cast %get3A_12 : vector<1x1x4096xf32> to vector<1x4096xf32>
    %dot_general3A = arith.constant dense<0.000000e+00> : vector<256x4096xf32>
    %dot_general3A_14 = tpu.matmul %get3A_3, %get3A_8, %dot_general3A {dimension_numbers = #tpu.dot_dimension_numbers<[1], [1], [0], [0], [0, 0, 1, 0], [], []>, transpose_lhs_hint = false} : vector<256x3xf32>, vector<4096x3xf32>, vector<256x4096xf32> -> vector<256x4096xf32>
    %mul3A = arith.mulf %get3A_3, %get3A_3 : vector<256x3xf32>
    %reduce_sum3A = arith.constant dense<0.000000e+00> : vector<256xf32>
    %reduce_sum3A_15 = vector.multi_reduction <add>, %mul3A, %reduce_sum3A [1] : vector<256x3xf32> to vector<256xf32>
    %broadcast_in_dim3A = vector.shape_cast %reduce_sum3A_15 : vector<256xf32> to vector<256x1xf32>
    %add3A = vector.broadcast %broadcast_in_dim3A : vector<256x1xf32> to vector<256x4096xf32>
    %add3A_16 = vector.broadcast %get3A_13 : vector<1x4096xf32> to vector<256x4096xf32>
    %add3A_17 = arith.addf %add3A, %add3A_16 : vector<256x4096xf32>
    %mul3A_18 = arith.constant 2.000000e+00 : f32
    %mul3A_19 = vector.broadcast %mul3A_18 : f32 to vector<256x4096xf32>
    %mul3A_20 = arith.mulf %mul3A_19, %dot_general3A_14 : vector<256x4096xf32>
    %sub3A = arith.subf %add3A_17, %mul3A_20 : vector<256x4096xf32>
    %max3A = arith.constant 0.000000e+00 : f32
    %max3A_21 = vector.broadcast %max3A : f32 to vector<256x4096xf32>
    %max3A_22 = arith.maximumf %sub3A, %max3A_21 : vector<256x4096xf32>
    %swap3A = arith.constant 0 : index
    %swap3A_23 = arith.constant 0 : index
    %swap3A_24 = vector.load %arg6[%swap3A, %swap3A_23] : memref<256x4096xf32, #tpu.memory_space<vmem>>, vector<256x4096xf32>
    tpu.vector_store %arg6[%swap3A, %swap3A_23], %max3A_22 {strides = array<i32>} : memref<256x4096xf32, #tpu.memory_space<vmem>>, vector<256x4096xf32>,
    %iota3A = tpu.iota {dimensions = array<i32: 1>} : vector<256x4096xi32>
    %iota3A_25 = tpu.iota {dimensions = array<i32: 1>} : vector<256x16xi32>
    %broadcast_in_dim3A_26 = arith.constant 0 : i32
    %broadcast_in_dim3A_27 = vector.broadcast %broadcast_in_dim3A_26 : i32 to vector<256x16xi32>
    %scan3A = arith.constant 0 : i32
    %scan3A_28 = arith.constant 16 : i32
    %scan3A_29 = arith.addi %scan3A, %scan3A_28 : i32
    %scan3A_30 = arith.constant 1 : i32
    %scan3A_31 = scf.for %scan3A_39 = %scan3A to %scan3A_29 step %scan3A_30 iter_args(%scan3A_40 = %broadcast_in_dim3A_27) -> (vector<256x16xi32>)  : i32 {
      %get3A_41 = arith.constant 0 : index
      %get3A_42 = arith.constant 0 : index
      %get3A_43 = vector.load %arg6[%get3A_41, %get3A_42] : memref<256x4096xf32, #tpu.memory_space<vmem>>, vector<256x4096xf32>
      %reduce_min3A = arith.constant dense<0x7F800000> : vector<256xf32>
      %reduce_min3A_44 = vector.multi_reduction <minimumf>, %get3A_43, %reduce_min3A [1] : vector<256x4096xf32> to vector<256xf32>
      %broadcast_in_dim3A_45 = vector.shape_cast %reduce_min3A_44 : vector<256xf32> to vector<256x1xf32>
      %le3A = vector.broadcast %broadcast_in_dim3A_45 : vector<256x1xf32> to vector<256x4096xf32>
      %le3A_46 = arith.cmpf ole, %get3A_43, %le3A : vector<256x4096xf32>
      %jit3A = arith.constant 4096 : i32
      %broadcast_in_dim3A_47 = vector.broadcast %jit3A : i32 to vector<256x4096xi32>
      %select_n3A = arith.select %le3A_46, %iota3A, %broadcast_in_dim3A_47 : vector<256x4096xi1>, vector<256x4096xi32>
      %reduce_min3A_48 = arith.constant dense<2147483647> : vector<256xi32>
      %reduce_min3A_49 = vector.multi_reduction <minsi>, %select_n3A, %reduce_min3A_48 [1] : vector<256x4096xi32> to vector<256xi32>
      %broadcast_in_dim3A_50 = vector.shape_cast %reduce_min3A_49 : vector<256xi32> to vector<256x1xi32>
      %eq3A = vector.broadcast %scan3A_39 : i32 to vector<256x16xi32>
      %eq3A_51 = arith.cmpi eq, %iota3A_25, %eq3A : vector<256x16xi32>
      %broadcast_in_dim3A_52 = vector.shape_cast %broadcast_in_dim3A_50 : vector<256x1xi32> to vector<256x1xi32>
      %broadcast_in_dim3A_53 = vector.broadcast %broadcast_in_dim3A_52 : vector<256x1xi32> to vector<256x16xi32>
      %select_n3A_54 = arith.select %eq3A_51, %broadcast_in_dim3A_53, %scan3A_40 : vector<256x16xi1>, vector<256x16xi32>
      %eq3A_55 = vector.broadcast %broadcast_in_dim3A_50 : vector<256x1xi32> to vector<256x4096xi32>
      %eq3A_56 = arith.cmpi eq, %select_n3A, %eq3A_55 : vector<256x4096xi32>
      %jit3A_57 = arith.constant 0x7F800000 : f32
      %broadcast_in_dim3A_58 = vector.broadcast %jit3A_57 : f32 to vector<256x4096xf32>
      %select_n3A_59 = arith.select %eq3A_56, %broadcast_in_dim3A_58, %get3A_43 : vector<256x4096xi1>, vector<256x4096xf32>
      %swap3A_60 = arith.constant 0 : index
      %swap3A_61 = arith.constant 0 : index
      %swap3A_62 = vector.load %arg6[%swap3A_60, %swap3A_61] : memref<256x4096xf32, #tpu.memory_space<vmem>>, vector<256x4096xf32>
      tpu.vector_store %arg6[%swap3A_60, %swap3A_61], %select_n3A_59 {strides = array<i32>} : memref<256x4096xf32, #tpu.memory_space<vmem>>, vector<256x4096xf32>,
      scf.yield %select_n3A_54 : vector<256x16xi32>
    }
    %scan3A_32 = arith.constant 16 : i32
    %swap3A_33 = arith.constant 0 : index
    %swap3A_34 = arith.constant 0 : index
    %swap3A_35 = arith.constant 0 : index
    %swap3A_36 = vector.load %arg5[%swap3A_33, %swap3A_34, %swap3A_35] : memref<1x256x16xi32, #tpu.memory_space<vmem>>, vector<1x256x16xi32>
    %swap3A_37 = vector.shape_cast %swap3A_36 : vector<1x256x16xi32> to vector<256x16xi32>
    %swap3A_38 = vector.shape_cast %scan3A_31 : vector<256x16xi32> to vector<1x256x16xi32>
    tpu.vector_store %arg5[%swap3A_33, %swap3A_34, %swap3A_35], %swap3A_38 {strides = array<i32>} : memref<1x256x16xi32, #tpu.memory_space<vmem>>, vector<1x256x16xi32>,
    return
  }
  func.func @transform_0(%arg0: i32, %arg1: i32) -> (i32, i32, i32) {
    %c0_i32 = arith.constant 0 : i32
    %c0_i32_0 = arith.constant 0 : i32
    return %arg0, %arg1, %c0_i32 : i32, i32, i32
  }
  func.func @transform_1(%arg0: i32, %arg1: i32) -> (i32, i32, i32) {
    %c0_i32 = arith.constant 0 : i32
    %c0_i32_0 = arith.constant 0 : i32
    %c0_i32_1 = arith.constant 0 : i32
    return %arg0, %c0_i32, %c0_i32_0 : i32, i32, i32
  }
  func.func @transform_2(%arg0: i32, %arg1: i32) -> (i32, i32, i32) {
    %c0_i32 = arith.constant 0 : i32
    %c0_i32_0 = arith.constant 0 : i32
    %c0_i32_1 = arith.constant 0 : i32
    return %arg0, %c0_i32, %c0_i32_0 : i32, i32, i32
  }
  func.func @transform_3(%arg0: i32, %arg1: i32) -> (i32, i32, i32) {
    %c0_i32 = arith.constant 0 : i32
    %c0_i32_0 = arith.constant 0 : i32
    return %arg0, %arg1, %c0_i32 : i32, i32, i32
  }
}

module attributes {stable_mosaic.version = 14 : i64} {
  func.func @body(%arg0: i32, %arg1: i32, %arg2: memref<1x256x3xf32, #tpu.memory_space<vmem>>, %arg3: memref<1x1024x3xf32, #tpu.memory_space<vmem>>, %arg4: memref<1x1x1024xf32, #tpu.memory_space<vmem>>, %arg5: memref<1x256x32xi32, #tpu.memory_space<vmem>>, %arg6: memref<256x1024xf32, #tpu.memory_space<vmem>>) attributes {dimension_semantics = [#tpu.dimension_semantics<arbitrary>, #tpu.dimension_semantics<arbitrary>], iteration_bounds = array<i64: 4, 4>, scalar_prefetch = 0 : i64, scratch_operands = 1 : i64, tpu.core_type = #tpu.core_type<tc>, window_params = [{transform_indices = @transform_0, window_bounds = array<i64: 1, 256, 3>}, {transform_indices = @transform_1, window_bounds = array<i64: 1, 1024, 3>}, {transform_indices = @transform_2, window_bounds = array<i64: 1, 1, 1024>}, {transform_indices = @transform_3, window_bounds = array<i64: 1, 256, 32>}]} {
    %get3A = arith.constant 0 : index
    %get3A_0 = arith.constant 0 : index
    %get3A_1 = arith.constant 0 : index
    %get3A_2 = vector.load %arg2[%get3A, %get3A_0, %get3A_1] : memref<1x256x3xf32, #tpu.memory_space<vmem>>, vector<1x256x3xf32>
    %get3A_3 = vector.shape_cast %get3A_2 : vector<1x256x3xf32> to vector<256x3xf32>
    %get3A_4 = arith.constant 0 : index
    %get3A_5 = arith.constant 0 : index
    %get3A_6 = arith.constant 0 : index
    %get3A_7 = vector.load %arg3[%get3A_4, %get3A_5, %get3A_6] : memref<1x1024x3xf32, #tpu.memory_space<vmem>>, vector<1x1024x3xf32>
    %get3A_8 = vector.shape_cast %get3A_7 : vector<1x1024x3xf32> to vector<1024x3xf32>
    %get3A_9 = arith.constant 0 : index
    %get3A_10 = arith.constant 0 : index
    %get3A_11 = arith.constant 0 : index
    %get3A_12 = vector.load %arg4[%get3A_9, %get3A_10, %get3A_11] : memref<1x1x1024xf32, #tpu.memory_space<vmem>>, vector<1x1x1024xf32>
    %get3A_13 = vector.shape_cast %get3A_12 : vector<1x1x1024xf32> to vector<1x1024xf32>
    %dot_general3A = arith.constant dense<0.000000e+00> : vector<256x1024xf32>
    %dot_general3A_14 = tpu.matmul %get3A_3, %get3A_8, %dot_general3A {dimension_numbers = #tpu.dot_dimension_numbers<[1], [1], [0], [0], [0, 0, 1, 0], [], []>, transpose_lhs_hint = false} : vector<256x3xf32>, vector<1024x3xf32>, vector<256x1024xf32> -> vector<256x1024xf32>
    %mul3A = arith.mulf %get3A_3, %get3A_3 : vector<256x3xf32>
    %reduce_sum3A = arith.constant dense<0.000000e+00> : vector<256xf32>
    %reduce_sum3A_15 = vector.multi_reduction <add>, %mul3A, %reduce_sum3A [1] : vector<256x3xf32> to vector<256xf32>
    %broadcast_in_dim3A = vector.shape_cast %reduce_sum3A_15 : vector<256xf32> to vector<256x1xf32>
    %add3A = vector.broadcast %broadcast_in_dim3A : vector<256x1xf32> to vector<256x1024xf32>
    %add3A_16 = vector.broadcast %get3A_13 : vector<1x1024xf32> to vector<256x1024xf32>
    %add3A_17 = arith.addf %add3A, %add3A_16 : vector<256x1024xf32>
    %mul3A_18 = arith.constant 2.000000e+00 : f32
    %mul3A_19 = vector.broadcast %mul3A_18 : f32 to vector<256x1024xf32>
    %mul3A_20 = arith.mulf %mul3A_19, %dot_general3A_14 : vector<256x1024xf32>
    %sub3A = arith.subf %add3A_17, %mul3A_20 : vector<256x1024xf32>
    %max3A = arith.constant 0.000000e+00 : f32
    %max3A_21 = vector.broadcast %max3A : f32 to vector<256x1024xf32>
    %max3A_22 = arith.maximumf %sub3A, %max3A_21 : vector<256x1024xf32>
    %swap3A = arith.constant 0 : index
    %swap3A_23 = arith.constant 0 : index
    %swap3A_24 = vector.load %arg6[%swap3A, %swap3A_23] : memref<256x1024xf32, #tpu.memory_space<vmem>>, vector<256x1024xf32>
    tpu.vector_store %arg6[%swap3A, %swap3A_23], %max3A_22 {strides = array<i32>} : memref<256x1024xf32, #tpu.memory_space<vmem>>, vector<256x1024xf32>,
    %iota3A = tpu.iota {dimensions = array<i32: 1>} : vector<256x1024xi32>
    %iota3A_25 = tpu.iota {dimensions = array<i32: 1>} : vector<256x32xi32>
    %broadcast_in_dim3A_26 = arith.constant 0 : i32
    %broadcast_in_dim3A_27 = vector.broadcast %broadcast_in_dim3A_26 : i32 to vector<256x1xi32>
    %broadcast_in_dim3A_28 = arith.constant 0 : i32
    %broadcast_in_dim3A_29 = vector.broadcast %broadcast_in_dim3A_28 : i32 to vector<256x32xi32>
    %scan3A = arith.constant 0 : i32
    %scan3A_30 = arith.constant 32 : i32
    %scan3A_31 = arith.addi %scan3A, %scan3A_30 : i32
    %scan3A_32 = arith.constant 1 : i32
    %scan3A_33:2 = scf.for %scan3A_41 = %scan3A to %scan3A_31 step %scan3A_32 iter_args(%scan3A_42 = %broadcast_in_dim3A_27, %scan3A_43 = %broadcast_in_dim3A_29) -> (vector<256x1xi32>, vector<256x32xi32>)  : i32 {
      %get3A_44 = arith.constant 0 : index
      %get3A_45 = arith.constant 0 : index
      %get3A_46 = vector.load %arg6[%get3A_44, %get3A_45] : memref<256x1024xf32, #tpu.memory_space<vmem>>, vector<256x1024xf32>
      %reduce_min3A = arith.constant dense<0x7F800000> : vector<256xf32>
      %reduce_min3A_47 = vector.multi_reduction <minimumf>, %get3A_46, %reduce_min3A [1] : vector<256x1024xf32> to vector<256xf32>
      %broadcast_in_dim3A_48 = vector.shape_cast %reduce_min3A_47 : vector<256xf32> to vector<256x1xf32>
      %le3A = vector.broadcast %broadcast_in_dim3A_48 : vector<256x1xf32> to vector<256x1024xf32>
      %le3A_49 = arith.cmpf ole, %get3A_46, %le3A : vector<256x1024xf32>
      %jit3A = arith.constant 1024 : i32
      %broadcast_in_dim3A_50 = vector.broadcast %jit3A : i32 to vector<256x1024xi32>
      %select_n3A = arith.select %le3A_49, %iota3A, %broadcast_in_dim3A_50 : vector<256x1024xi1>, vector<256x1024xi32>
      %reduce_min3A_51 = arith.constant dense<2147483647> : vector<256xi32>
      %reduce_min3A_52 = vector.multi_reduction <minsi>, %select_n3A, %reduce_min3A_51 [1] : vector<256x1024xi32> to vector<256xi32>
      %broadcast_in_dim3A_53 = vector.shape_cast %reduce_min3A_52 : vector<256xi32> to vector<256x1xi32>
      %eq3A = arith.constant 0 : i32
      %eq3A_54 = arith.cmpi eq, %scan3A_41, %eq3A : i32
      %select_n3A_55 = arith.select %eq3A_54, %broadcast_in_dim3A_53, %scan3A_42 : vector<256x1xi32>
      %le3A_56 = arith.constant 4.000000e-02 : f32
      %le3A_57 = vector.broadcast %le3A_56 : f32 to vector<256x1xf32>
      %le3A_58 = arith.cmpf ole, %broadcast_in_dim3A_48, %le3A_57 : vector<256x1xf32>
      %select_n3A_59 = arith.select %le3A_58, %broadcast_in_dim3A_53, %select_n3A_55 : vector<256x1xi1>, vector<256x1xi32>
      %eq3A_60 = vector.broadcast %scan3A_41 : i32 to vector<256x32xi32>
      %eq3A_61 = arith.cmpi eq, %iota3A_25, %eq3A_60 : vector<256x32xi32>
      %broadcast_in_dim3A_62 = vector.shape_cast %select_n3A_59 : vector<256x1xi32> to vector<256x1xi32>
      %broadcast_in_dim3A_63 = vector.broadcast %broadcast_in_dim3A_62 : vector<256x1xi32> to vector<256x32xi32>
      %select_n3A_64 = arith.select %eq3A_61, %broadcast_in_dim3A_63, %scan3A_43 : vector<256x32xi1>, vector<256x32xi32>
      %eq3A_65 = vector.broadcast %broadcast_in_dim3A_53 : vector<256x1xi32> to vector<256x1024xi32>
      %eq3A_66 = arith.cmpi eq, %select_n3A, %eq3A_65 : vector<256x1024xi32>
      %jit3A_67 = arith.constant 0x7F800000 : f32
      %broadcast_in_dim3A_68 = vector.broadcast %jit3A_67 : f32 to vector<256x1024xf32>
      %select_n3A_69 = arith.select %eq3A_66, %broadcast_in_dim3A_68, %get3A_46 : vector<256x1024xi1>, vector<256x1024xf32>
      %swap3A_70 = arith.constant 0 : index
      %swap3A_71 = arith.constant 0 : index
      %swap3A_72 = vector.load %arg6[%swap3A_70, %swap3A_71] : memref<256x1024xf32, #tpu.memory_space<vmem>>, vector<256x1024xf32>
      tpu.vector_store %arg6[%swap3A_70, %swap3A_71], %select_n3A_69 {strides = array<i32>} : memref<256x1024xf32, #tpu.memory_space<vmem>>, vector<256x1024xf32>,
      scf.yield %select_n3A_55, %select_n3A_64 : vector<256x1xi32>, vector<256x32xi32>
    }
    %scan3A_34 = arith.constant 32 : i32
    %swap3A_35 = arith.constant 0 : index
    %swap3A_36 = arith.constant 0 : index
    %swap3A_37 = arith.constant 0 : index
    %swap3A_38 = vector.load %arg5[%swap3A_35, %swap3A_36, %swap3A_37] : memref<1x256x32xi32, #tpu.memory_space<vmem>>, vector<1x256x32xi32>
    %swap3A_39 = vector.shape_cast %swap3A_38 : vector<1x256x32xi32> to vector<256x32xi32>
    %swap3A_40 = vector.shape_cast %scan3A_33#1 : vector<256x32xi32> to vector<1x256x32xi32>
    tpu.vector_store %arg5[%swap3A_35, %swap3A_36, %swap3A_37], %swap3A_40 {strides = array<i32>} : memref<1x256x32xi32, #tpu.memory_space<vmem>>, vector<1x256x32xi32>,
    return
  }
  func.func @transform_0(%arg0: i32, %arg1: i32) -> (i32, i32, i32) {
    %c0_i32 = arith.constant 0 : i32
    %c0_i32_0 = arith.constant 0 : i32
    return %arg0, %arg1, %c0_i32 : i32, i32, i32
  }
  func.func @transform_1(%arg0: i32, %arg1: i32) -> (i32, i32, i32) {
    %c0_i32 = arith.constant 0 : i32
    %c0_i32_0 = arith.constant 0 : i32
    %c0_i32_1 = arith.constant 0 : i32
    return %arg0, %c0_i32, %c0_i32_0 : i32, i32, i32
  }
  func.func @transform_2(%arg0: i32, %arg1: i32) -> (i32, i32, i32) {
    %c0_i32 = arith.constant 0 : i32
    %c0_i32_0 = arith.constant 0 : i32
    %c0_i32_1 = arith.constant 0 : i32
    return %arg0, %c0_i32, %c0_i32_0 : i32, i32, i32
  }
  func.func @transform_3(%arg0: i32, %arg1: i32) -> (i32, i32, i32) {
    %c0_i32 = arith.constant 0 : i32
    %c0_i32_0 = arith.constant 0 : i32
    return %arg0, %arg1, %c0_i32 : i32, i32, i32
  }
}

module attributes {stable_mosaic.version = 14 : i64} {
  func.func @body(%arg0: i32, %arg1: memref<8192x128xf32, #tpu.memory_space<vmem>>, %arg2: memref<256x3xf32, #tpu.memory_space<vmem>>, %arg3: memref<3x16xf32, #tpu.memory_space<vmem>>, %arg4: memref<1x16xf32, #tpu.memory_space<vmem>>, %arg5: memref<64x64xf32, #tpu.memory_space<vmem>>, %arg6: memref<16x64xf32, #tpu.memory_space<vmem>>, %arg7: memref<1x64xf32, #tpu.memory_space<vmem>>, %arg8: memref<256x64xf32, #tpu.memory_space<vmem>>) attributes {dimension_semantics = [#tpu.dimension_semantics<arbitrary>], iteration_bounds = array<i64: 64>, scalar_prefetch = 0 : i64, scratch_operands = 0 : i64, tpu.core_type = #tpu.core_type<tc>, window_params = [{transform_indices = @transform_0, window_bounds = array<i64: 8192, 128>}, {transform_indices = @transform_1, window_bounds = array<i64: 256, 3>}, {pipeline_mode = #tpu.pipeline_mode<synchronous>, transform_indices = @transform_2, window_bounds = array<i64: 3, 16>}, {pipeline_mode = #tpu.pipeline_mode<synchronous>, transform_indices = @transform_3, window_bounds = array<i64: 1, 16>}, {pipeline_mode = #tpu.pipeline_mode<synchronous>, transform_indices = @transform_4, window_bounds = array<i64: 64, 64>}, {pipeline_mode = #tpu.pipeline_mode<synchronous>, transform_indices = @transform_5, window_bounds = array<i64: 16, 64>}, {pipeline_mode = #tpu.pipeline_mode<synchronous>, transform_indices = @transform_6, window_bounds = array<i64: 1, 64>}, {transform_indices = @transform_7, window_bounds = array<i64: 256, 64>}]} {
    %get3A = arith.constant 0 : index
    %get3A_0 = arith.constant 0 : index
    %get3A_1 = vector.load %arg1[%get3A, %get3A_0] : memref<8192x128xf32, #tpu.memory_space<vmem>>, vector<8192x128xf32>
    %slice3A = vector.extract_strided_slice %get3A_1 {offsets = [0, 0], sizes = [8192, 3], strides = [1, 1]} : vector<8192x128xf32> to vector<8192x3xf32>
    %slice3A_2 = vector.extract_strided_slice %get3A_1 {offsets = [0, 16], sizes = [8192, 64], strides = [1, 1]} : vector<8192x128xf32> to vector<8192x64xf32>
    %get3A_3 = arith.constant 0 : index
    %get3A_4 = arith.constant 0 : index
    %get3A_5 = vector.load %arg2[%get3A_3, %get3A_4] : memref<256x3xf32, #tpu.memory_space<vmem>>, vector<256x3xf32>
    %reshape3A = vector.shape_cast %slice3A : vector<8192x3xf32> to vector<256x32x3xf32>
    %broadcast_in_dim3A = vector.shape_cast %get3A_5 : vector<256x3xf32> to vector<256x1x3xf32>
    %sub3A = vector.broadcast %broadcast_in_dim3A : vector<256x1x3xf32> to vector<256x32x3xf32>
    %sub3A_6 = arith.subf %reshape3A, %sub3A : vector<256x32x3xf32>
    %reshape3A_7 = vector.shape_cast %sub3A_6 : vector<256x32x3xf32> to vector<8192x3xf32>
    %get3A_8 = arith.constant 0 : index
    %get3A_9 = arith.constant 0 : index
    %get3A_10 = vector.load %arg3[%get3A_8, %get3A_9] : memref<3x16xf32, #tpu.memory_space<vmem>>, vector<3x16xf32>
    %dot_general3A = arith.constant dense<0.000000e+00> : vector<8192x16xf32>
    %dot_general3A_11 = tpu.matmul %reshape3A_7, %get3A_10, %dot_general3A {dimension_numbers = #tpu.dot_dimension_numbers<[1], [0], [0], [1], [0, 0, 1, 1], [], []>, transpose_lhs_hint = false} : vector<8192x3xf32>, vector<3x16xf32>, vector<8192x16xf32> -> vector<8192x16xf32>
    %get3A_12 = arith.constant 0 : index
    %get3A_13 = arith.constant 0 : index
    %get3A_14 = vector.load %arg4[%get3A_12, %get3A_13] : memref<1x16xf32, #tpu.memory_space<vmem>>, vector<1x16xf32>
    %add3A = vector.broadcast %get3A_14 : vector<1x16xf32> to vector<8192x16xf32>
    %add3A_15 = arith.addf %dot_general3A_11, %add3A : vector<8192x16xf32>
    %max3A = arith.constant 0.000000e+00 : f32
    %max3A_16 = vector.broadcast %max3A : f32 to vector<8192x16xf32>
    %max3A_17 = arith.maximumf %add3A_15, %max3A_16 : vector<8192x16xf32>
    %concatenate3A = tpu.concatenate %slice3A_2, %max3A_17 in 1 : vector<8192x64xf32>, vector<8192x16xf32> -> vector<8192x80xf32>
    %get3A_18 = arith.constant 0 : index
    %get3A_19 = arith.constant 0 : index
    %get3A_20 = vector.load %arg5[%get3A_18, %get3A_19] : memref<64x64xf32, #tpu.memory_space<vmem>>, vector<64x64xf32>
    %get3A_21 = arith.constant 0 : index
    %get3A_22 = arith.constant 0 : index
    %get3A_23 = vector.load %arg6[%get3A_21, %get3A_22] : memref<16x64xf32, #tpu.memory_space<vmem>>, vector<16x64xf32>
    %concatenate3A_24 = tpu.concatenate %get3A_20, %get3A_23 in 0 : vector<64x64xf32>, vector<16x64xf32> -> vector<80x64xf32>
    %dot_general3A_25 = arith.constant dense<0.000000e+00> : vector<8192x64xf32>
    %dot_general3A_26 = tpu.matmul %concatenate3A, %concatenate3A_24, %dot_general3A_25 {dimension_numbers = #tpu.dot_dimension_numbers<[1], [0], [0], [1], [0, 0, 1, 1], [], []>, transpose_lhs_hint = false} : vector<8192x80xf32>, vector<80x64xf32>, vector<8192x64xf32> -> vector<8192x64xf32>
    %get3A_27 = arith.constant 0 : index
    %get3A_28 = arith.constant 0 : index
    %get3A_29 = vector.load %arg7[%get3A_27, %get3A_28] : memref<1x64xf32, #tpu.memory_space<vmem>>, vector<1x64xf32>
    %add3A_30 = vector.broadcast %get3A_29 : vector<1x64xf32> to vector<8192x64xf32>
    %add3A_31 = arith.addf %dot_general3A_26, %add3A_30 : vector<8192x64xf32>
    %max3A_32 = arith.constant 0.000000e+00 : f32
    %max3A_33 = vector.broadcast %max3A_32 : f32 to vector<8192x64xf32>
    %max3A_34 = arith.maximumf %add3A_31, %max3A_33 : vector<8192x64xf32>
    %reshape3A_35 = vector.shape_cast %max3A_34 : vector<8192x64xf32> to vector<256x32x64xf32>
    %reduce_max3A = arith.constant dense<0xFF800000> : vector<256x64xf32>
    %reduce_max3A_36 = vector.multi_reduction <maximumf>, %reshape3A_35, %reduce_max3A [1] : vector<256x32x64xf32> to vector<256x64xf32>
    %swap3A = arith.constant 0 : index
    %swap3A_37 = arith.constant 0 : index
    %swap3A_38 = vector.load %arg8[%swap3A, %swap3A_37] : memref<256x64xf32, #tpu.memory_space<vmem>>, vector<256x64xf32>
    tpu.vector_store %arg8[%swap3A, %swap3A_37], %reduce_max3A_36 {strides = array<i32>} : memref<256x64xf32, #tpu.memory_space<vmem>>, vector<256x64xf32>,
    return
  }
  func.func @transform_0(%arg0: i32) -> (i32, i32) {
    %c0_i32 = arith.constant 0 : i32
    %c0_i32_0 = arith.constant 0 : i32
    return %arg0, %c0_i32 : i32, i32
  }
  func.func @transform_1(%arg0: i32) -> (i32, i32) {
    %c0_i32 = arith.constant 0 : i32
    %c0_i32_0 = arith.constant 0 : i32
    return %arg0, %c0_i32 : i32, i32
  }
  func.func @transform_2(%arg0: i32) -> (i32, i32) {
    %c0_i32 = arith.constant 0 : i32
    %c0_i32_0 = arith.constant 0 : i32
    %c0_i32_1 = arith.constant 0 : i32
    return %c0_i32, %c0_i32_0 : i32, i32
  }
  func.func @transform_3(%arg0: i32) -> (i32, i32) {
    %c0_i32 = arith.constant 0 : i32
    %c0_i32_0 = arith.constant 0 : i32
    %c0_i32_1 = arith.constant 0 : i32
    return %c0_i32, %c0_i32_0 : i32, i32
  }
  func.func @transform_4(%arg0: i32) -> (i32, i32) {
    %c0_i32 = arith.constant 0 : i32
    %c0_i32_0 = arith.constant 0 : i32
    %c0_i32_1 = arith.constant 0 : i32
    return %c0_i32, %c0_i32_0 : i32, i32
  }
  func.func @transform_5(%arg0: i32) -> (i32, i32) {
    %c0_i32 = arith.constant 0 : i32
    %c0_i32_0 = arith.constant 0 : i32
    %c0_i32_1 = arith.constant 0 : i32
    return %c0_i32, %c0_i32_0 : i32, i32
  }
  func.func @transform_6(%arg0: i32) -> (i32, i32) {
    %c0_i32 = arith.constant 0 : i32
    %c0_i32_0 = arith.constant 0 : i32
    %c0_i32_1 = arith.constant 0 : i32
    return %c0_i32, %c0_i32_0 : i32, i32
  }
  func.func @transform_7(%arg0: i32) -> (i32, i32) {
    %c0_i32 = arith.constant 0 : i32
    %c0_i32_0 = arith.constant 0 : i32
    return %arg0, %c0_i32 : i32, i32
  }
}

module attributes {stable_mosaic.version = 14 : i64} {
  func.func @body(%arg0: i32, %arg1: i32, %arg2: memref<1x256x3xf32, #tpu.memory_space<vmem>>, %arg3: memref<1x1024x3xf32, #tpu.memory_space<vmem>>, %arg4: memref<1x1x1024xf32, #tpu.memory_space<vmem>>, %arg5: memref<1x256x16xi32, #tpu.memory_space<vmem>>, %arg6: memref<256x1024xf32, #tpu.memory_space<vmem>>) attributes {dimension_semantics = [#tpu.dimension_semantics<arbitrary>, #tpu.dimension_semantics<arbitrary>], iteration_bounds = array<i64: 4, 1>, scalar_prefetch = 0 : i64, scratch_operands = 1 : i64, tpu.core_type = #tpu.core_type<tc>, window_params = [{transform_indices = @transform_0, window_bounds = array<i64: 1, 256, 3>}, {transform_indices = @transform_1, window_bounds = array<i64: 1, 1024, 3>}, {transform_indices = @transform_2, window_bounds = array<i64: 1, 1, 1024>}, {transform_indices = @transform_3, window_bounds = array<i64: 1, 256, 16>}]} {
    %get3A = arith.constant 0 : index
    %get3A_0 = arith.constant 0 : index
    %get3A_1 = arith.constant 0 : index
    %get3A_2 = vector.load %arg2[%get3A, %get3A_0, %get3A_1] : memref<1x256x3xf32, #tpu.memory_space<vmem>>, vector<1x256x3xf32>
    %get3A_3 = vector.shape_cast %get3A_2 : vector<1x256x3xf32> to vector<256x3xf32>
    %get3A_4 = arith.constant 0 : index
    %get3A_5 = arith.constant 0 : index
    %get3A_6 = arith.constant 0 : index
    %get3A_7 = vector.load %arg3[%get3A_4, %get3A_5, %get3A_6] : memref<1x1024x3xf32, #tpu.memory_space<vmem>>, vector<1x1024x3xf32>
    %get3A_8 = vector.shape_cast %get3A_7 : vector<1x1024x3xf32> to vector<1024x3xf32>
    %get3A_9 = arith.constant 0 : index
    %get3A_10 = arith.constant 0 : index
    %get3A_11 = arith.constant 0 : index
    %get3A_12 = vector.load %arg4[%get3A_9, %get3A_10, %get3A_11] : memref<1x1x1024xf32, #tpu.memory_space<vmem>>, vector<1x1x1024xf32>
    %get3A_13 = vector.shape_cast %get3A_12 : vector<1x1x1024xf32> to vector<1x1024xf32>
    %dot_general3A = arith.constant dense<0.000000e+00> : vector<256x1024xf32>
    %dot_general3A_14 = tpu.matmul %get3A_3, %get3A_8, %dot_general3A {dimension_numbers = #tpu.dot_dimension_numbers<[1], [1], [0], [0], [0, 0, 1, 0], [], []>, transpose_lhs_hint = false} : vector<256x3xf32>, vector<1024x3xf32>, vector<256x1024xf32> -> vector<256x1024xf32>
    %mul3A = arith.mulf %get3A_3, %get3A_3 : vector<256x3xf32>
    %reduce_sum3A = arith.constant dense<0.000000e+00> : vector<256xf32>
    %reduce_sum3A_15 = vector.multi_reduction <add>, %mul3A, %reduce_sum3A [1] : vector<256x3xf32> to vector<256xf32>
    %broadcast_in_dim3A = vector.shape_cast %reduce_sum3A_15 : vector<256xf32> to vector<256x1xf32>
    %add3A = vector.broadcast %broadcast_in_dim3A : vector<256x1xf32> to vector<256x1024xf32>
    %add3A_16 = vector.broadcast %get3A_13 : vector<1x1024xf32> to vector<256x1024xf32>
    %add3A_17 = arith.addf %add3A, %add3A_16 : vector<256x1024xf32>
    %mul3A_18 = arith.constant 2.000000e+00 : f32
    %mul3A_19 = vector.broadcast %mul3A_18 : f32 to vector<256x1024xf32>
    %mul3A_20 = arith.mulf %mul3A_19, %dot_general3A_14 : vector<256x1024xf32>
    %sub3A = arith.subf %add3A_17, %mul3A_20 : vector<256x1024xf32>
    %max3A = arith.constant 0.000000e+00 : f32
    %max3A_21 = vector.broadcast %max3A : f32 to vector<256x1024xf32>
    %max3A_22 = arith.maximumf %sub3A, %max3A_21 : vector<256x1024xf32>
    %swap3A = arith.constant 0 : index
    %swap3A_23 = arith.constant 0 : index
    %swap3A_24 = vector.load %arg6[%swap3A, %swap3A_23] : memref<256x1024xf32, #tpu.memory_space<vmem>>, vector<256x1024xf32>
    tpu.vector_store %arg6[%swap3A, %swap3A_23], %max3A_22 {strides = array<i32>} : memref<256x1024xf32, #tpu.memory_space<vmem>>, vector<256x1024xf32>,
    %iota3A = tpu.iota {dimensions = array<i32: 1>} : vector<256x1024xi32>
    %iota3A_25 = tpu.iota {dimensions = array<i32: 1>} : vector<256x16xi32>
    %broadcast_in_dim3A_26 = arith.constant 0 : i32
    %broadcast_in_dim3A_27 = vector.broadcast %broadcast_in_dim3A_26 : i32 to vector<256x16xi32>
    %scan3A = arith.constant 0 : i32
    %scan3A_28 = arith.constant 16 : i32
    %scan3A_29 = arith.addi %scan3A, %scan3A_28 : i32
    %scan3A_30 = arith.constant 1 : i32
    %scan3A_31 = scf.for %scan3A_39 = %scan3A to %scan3A_29 step %scan3A_30 iter_args(%scan3A_40 = %broadcast_in_dim3A_27) -> (vector<256x16xi32>)  : i32 {
      %get3A_41 = arith.constant 0 : index
      %get3A_42 = arith.constant 0 : index
      %get3A_43 = vector.load %arg6[%get3A_41, %get3A_42] : memref<256x1024xf32, #tpu.memory_space<vmem>>, vector<256x1024xf32>
      %reduce_min3A = arith.constant dense<0x7F800000> : vector<256xf32>
      %reduce_min3A_44 = vector.multi_reduction <minimumf>, %get3A_43, %reduce_min3A [1] : vector<256x1024xf32> to vector<256xf32>
      %broadcast_in_dim3A_45 = vector.shape_cast %reduce_min3A_44 : vector<256xf32> to vector<256x1xf32>
      %le3A = vector.broadcast %broadcast_in_dim3A_45 : vector<256x1xf32> to vector<256x1024xf32>
      %le3A_46 = arith.cmpf ole, %get3A_43, %le3A : vector<256x1024xf32>
      %jit3A = arith.constant 1024 : i32
      %broadcast_in_dim3A_47 = vector.broadcast %jit3A : i32 to vector<256x1024xi32>
      %select_n3A = arith.select %le3A_46, %iota3A, %broadcast_in_dim3A_47 : vector<256x1024xi1>, vector<256x1024xi32>
      %reduce_min3A_48 = arith.constant dense<2147483647> : vector<256xi32>
      %reduce_min3A_49 = vector.multi_reduction <minsi>, %select_n3A, %reduce_min3A_48 [1] : vector<256x1024xi32> to vector<256xi32>
      %broadcast_in_dim3A_50 = vector.shape_cast %reduce_min3A_49 : vector<256xi32> to vector<256x1xi32>
      %eq3A = vector.broadcast %scan3A_39 : i32 to vector<256x16xi32>
      %eq3A_51 = arith.cmpi eq, %iota3A_25, %eq3A : vector<256x16xi32>
      %broadcast_in_dim3A_52 = vector.shape_cast %broadcast_in_dim3A_50 : vector<256x1xi32> to vector<256x1xi32>
      %broadcast_in_dim3A_53 = vector.broadcast %broadcast_in_dim3A_52 : vector<256x1xi32> to vector<256x16xi32>
      %select_n3A_54 = arith.select %eq3A_51, %broadcast_in_dim3A_53, %scan3A_40 : vector<256x16xi1>, vector<256x16xi32>
      %eq3A_55 = vector.broadcast %broadcast_in_dim3A_50 : vector<256x1xi32> to vector<256x1024xi32>
      %eq3A_56 = arith.cmpi eq, %select_n3A, %eq3A_55 : vector<256x1024xi32>
      %jit3A_57 = arith.constant 0x7F800000 : f32
      %broadcast_in_dim3A_58 = vector.broadcast %jit3A_57 : f32 to vector<256x1024xf32>
      %select_n3A_59 = arith.select %eq3A_56, %broadcast_in_dim3A_58, %get3A_43 : vector<256x1024xi1>, vector<256x1024xf32>
      %swap3A_60 = arith.constant 0 : index
      %swap3A_61 = arith.constant 0 : index
      %swap3A_62 = vector.load %arg6[%swap3A_60, %swap3A_61] : memref<256x1024xf32, #tpu.memory_space<vmem>>, vector<256x1024xf32>
      tpu.vector_store %arg6[%swap3A_60, %swap3A_61], %select_n3A_59 {strides = array<i32>} : memref<256x1024xf32, #tpu.memory_space<vmem>>, vector<256x1024xf32>,
      scf.yield %select_n3A_54 : vector<256x16xi32>
    }
    %scan3A_32 = arith.constant 16 : i32
    %swap3A_33 = arith.constant 0 : index
    %swap3A_34 = arith.constant 0 : index
    %swap3A_35 = arith.constant 0 : index
    %swap3A_36 = vector.load %arg5[%swap3A_33, %swap3A_34, %swap3A_35] : memref<1x256x16xi32, #tpu.memory_space<vmem>>, vector<1x256x16xi32>
    %swap3A_37 = vector.shape_cast %swap3A_36 : vector<1x256x16xi32> to vector<256x16xi32>
    %swap3A_38 = vector.shape_cast %scan3A_31 : vector<256x16xi32> to vector<1x256x16xi32>
    tpu.vector_store %arg5[%swap3A_33, %swap3A_34, %swap3A_35], %swap3A_38 {strides = array<i32>} : memref<1x256x16xi32, #tpu.memory_space<vmem>>, vector<1x256x16xi32>,
    return
  }
  func.func @transform_0(%arg0: i32, %arg1: i32) -> (i32, i32, i32) {
    %c0_i32 = arith.constant 0 : i32
    %c0_i32_0 = arith.constant 0 : i32
    return %arg0, %arg1, %c0_i32 : i32, i32, i32
  }
  func.func @transform_1(%arg0: i32, %arg1: i32) -> (i32, i32, i32) {
    %c0_i32 = arith.constant 0 : i32
    %c0_i32_0 = arith.constant 0 : i32
    %c0_i32_1 = arith.constant 0 : i32
    return %arg0, %c0_i32, %c0_i32_0 : i32, i32, i32
  }
  func.func @transform_2(%arg0: i32, %arg1: i32) -> (i32, i32, i32) {
    %c0_i32 = arith.constant 0 : i32
    %c0_i32_0 = arith.constant 0 : i32
    %c0_i32_1 = arith.constant 0 : i32
    return %arg0, %c0_i32, %c0_i32_0 : i32, i32, i32
  }
  func.func @transform_3(%arg0: i32, %arg1: i32) -> (i32, i32, i32) {
    %c0_i32 = arith.constant 0 : i32
    %c0_i32_0 = arith.constant 0 : i32
    return %arg0, %arg1, %c0_i32 : i32, i32, i32
  }
}

module attributes {stable_mosaic.version = 14 : i64} {
  func.func @body(%arg0: i32, %arg1: memref<8192x256xf32, #tpu.memory_space<vmem>>, %arg2: memref<256x3xf32, #tpu.memory_space<vmem>>, %arg3: memref<3x16xf32, #tpu.memory_space<vmem>>, %arg4: memref<1x16xf32, #tpu.memory_space<vmem>>, %arg5: memref<128x128xf32, #tpu.memory_space<vmem>>, %arg6: memref<16x128xf32, #tpu.memory_space<vmem>>, %arg7: memref<1x128xf32, #tpu.memory_space<vmem>>, %arg8: memref<256x128xf32, #tpu.memory_space<vmem>>) attributes {dimension_semantics = [#tpu.dimension_semantics<arbitrary>], iteration_bounds = array<i64: 16>, scalar_prefetch = 0 : i64, scratch_operands = 0 : i64, tpu.core_type = #tpu.core_type<tc>, window_params = [{transform_indices = @transform_0, window_bounds = array<i64: 8192, 256>}, {transform_indices = @transform_1, window_bounds = array<i64: 256, 3>}, {pipeline_mode = #tpu.pipeline_mode<synchronous>, transform_indices = @transform_2, window_bounds = array<i64: 3, 16>}, {pipeline_mode = #tpu.pipeline_mode<synchronous>, transform_indices = @transform_3, window_bounds = array<i64: 1, 16>}, {pipeline_mode = #tpu.pipeline_mode<synchronous>, transform_indices = @transform_4, window_bounds = array<i64: 128, 128>}, {pipeline_mode = #tpu.pipeline_mode<synchronous>, transform_indices = @transform_5, window_bounds = array<i64: 16, 128>}, {pipeline_mode = #tpu.pipeline_mode<synchronous>, transform_indices = @transform_6, window_bounds = array<i64: 1, 128>}, {transform_indices = @transform_7, window_bounds = array<i64: 256, 128>}]} {
    %get3A = arith.constant 0 : index
    %get3A_0 = arith.constant 0 : index
    %get3A_1 = vector.load %arg1[%get3A, %get3A_0] : memref<8192x256xf32, #tpu.memory_space<vmem>>, vector<8192x256xf32>
    %slice3A = vector.extract_strided_slice %get3A_1 {offsets = [0, 0], sizes = [8192, 3], strides = [1, 1]} : vector<8192x256xf32> to vector<8192x3xf32>
    %slice3A_2 = vector.extract_strided_slice %get3A_1 {offsets = [0, 16], sizes = [8192, 128], strides = [1, 1]} : vector<8192x256xf32> to vector<8192x128xf32>
    %get3A_3 = arith.constant 0 : index
    %get3A_4 = arith.constant 0 : index
    %get3A_5 = vector.load %arg2[%get3A_3, %get3A_4] : memref<256x3xf32, #tpu.memory_space<vmem>>, vector<256x3xf32>
    %reshape3A = vector.shape_cast %slice3A : vector<8192x3xf32> to vector<256x32x3xf32>
    %broadcast_in_dim3A = vector.shape_cast %get3A_5 : vector<256x3xf32> to vector<256x1x3xf32>
    %sub3A = vector.broadcast %broadcast_in_dim3A : vector<256x1x3xf32> to vector<256x32x3xf32>
    %sub3A_6 = arith.subf %reshape3A, %sub3A : vector<256x32x3xf32>
    %reshape3A_7 = vector.shape_cast %sub3A_6 : vector<256x32x3xf32> to vector<8192x3xf32>
    %get3A_8 = arith.constant 0 : index
    %get3A_9 = arith.constant 0 : index
    %get3A_10 = vector.load %arg3[%get3A_8, %get3A_9] : memref<3x16xf32, #tpu.memory_space<vmem>>, vector<3x16xf32>
    %dot_general3A = arith.constant dense<0.000000e+00> : vector<8192x16xf32>
    %dot_general3A_11 = tpu.matmul %reshape3A_7, %get3A_10, %dot_general3A {dimension_numbers = #tpu.dot_dimension_numbers<[1], [0], [0], [1], [0, 0, 1, 1], [], []>, transpose_lhs_hint = false} : vector<8192x3xf32>, vector<3x16xf32>, vector<8192x16xf32> -> vector<8192x16xf32>
    %get3A_12 = arith.constant 0 : index
    %get3A_13 = arith.constant 0 : index
    %get3A_14 = vector.load %arg4[%get3A_12, %get3A_13] : memref<1x16xf32, #tpu.memory_space<vmem>>, vector<1x16xf32>
    %add3A = vector.broadcast %get3A_14 : vector<1x16xf32> to vector<8192x16xf32>
    %add3A_15 = arith.addf %dot_general3A_11, %add3A : vector<8192x16xf32>
    %max3A = arith.constant 0.000000e+00 : f32
    %max3A_16 = vector.broadcast %max3A : f32 to vector<8192x16xf32>
    %max3A_17 = arith.maximumf %add3A_15, %max3A_16 : vector<8192x16xf32>
    %concatenate3A = tpu.concatenate %slice3A_2, %max3A_17 in 1 : vector<8192x128xf32>, vector<8192x16xf32> -> vector<8192x144xf32>
    %get3A_18 = arith.constant 0 : index
    %get3A_19 = arith.constant 0 : index
    %get3A_20 = vector.load %arg5[%get3A_18, %get3A_19] : memref<128x128xf32, #tpu.memory_space<vmem>>, vector<128x128xf32>
    %get3A_21 = arith.constant 0 : index
    %get3A_22 = arith.constant 0 : index
    %get3A_23 = vector.load %arg6[%get3A_21, %get3A_22] : memref<16x128xf32, #tpu.memory_space<vmem>>, vector<16x128xf32>
    %concatenate3A_24 = tpu.concatenate %get3A_20, %get3A_23 in 0 : vector<128x128xf32>, vector<16x128xf32> -> vector<144x128xf32>
    %dot_general3A_25 = arith.constant dense<0.000000e+00> : vector<8192x128xf32>
    %dot_general3A_26 = tpu.matmul %concatenate3A, %concatenate3A_24, %dot_general3A_25 {dimension_numbers = #tpu.dot_dimension_numbers<[1], [0], [0], [1], [0, 0, 1, 1], [], []>, transpose_lhs_hint = false} : vector<8192x144xf32>, vector<144x128xf32>, vector<8192x128xf32> -> vector<8192x128xf32>
    %get3A_27 = arith.constant 0 : index
    %get3A_28 = arith.constant 0 : index
    %get3A_29 = vector.load %arg7[%get3A_27, %get3A_28] : memref<1x128xf32, #tpu.memory_space<vmem>>, vector<1x128xf32>
    %add3A_30 = vector.broadcast %get3A_29 : vector<1x128xf32> to vector<8192x128xf32>
    %add3A_31 = arith.addf %dot_general3A_26, %add3A_30 : vector<8192x128xf32>
    %max3A_32 = arith.constant 0.000000e+00 : f32
    %max3A_33 = vector.broadcast %max3A_32 : f32 to vector<8192x128xf32>
    %max3A_34 = arith.maximumf %add3A_31, %max3A_33 : vector<8192x128xf32>
    %reshape3A_35 = vector.shape_cast %max3A_34 : vector<8192x128xf32> to vector<256x32x128xf32>
    %reduce_max3A = arith.constant dense<0xFF800000> : vector<256x128xf32>
    %reduce_max3A_36 = vector.multi_reduction <maximumf>, %reshape3A_35, %reduce_max3A [1] : vector<256x32x128xf32> to vector<256x128xf32>
    %swap3A = arith.constant 0 : index
    %swap3A_37 = arith.constant 0 : index
    %swap3A_38 = vector.load %arg8[%swap3A, %swap3A_37] : memref<256x128xf32, #tpu.memory_space<vmem>>, vector<256x128xf32>
    tpu.vector_store %arg8[%swap3A, %swap3A_37], %reduce_max3A_36 {strides = array<i32>} : memref<256x128xf32, #tpu.memory_space<vmem>>, vector<256x128xf32>,
    return
  }
  func.func @transform_0(%arg0: i32) -> (i32, i32) {
    %c0_i32 = arith.constant 0 : i32
    %c0_i32_0 = arith.constant 0 : i32
    return %arg0, %c0_i32 : i32, i32
  }
  func.func @transform_1(%arg0: i32) -> (i32, i32) {
    %c0_i32 = arith.constant 0 : i32
    %c0_i32_0 = arith.constant 0 : i32
    return %arg0, %c0_i32 : i32, i32
  }
  func.func @transform_2(%arg0: i32) -> (i32, i32) {
    %c0_i32 = arith.constant 0 : i32
    %c0_i32_0 = arith.constant 0 : i32
    %c0_i32_1 = arith.constant 0 : i32
    return %c0_i32, %c0_i32_0 : i32, i32
  }
  func.func @transform_3(%arg0: i32) -> (i32, i32) {
    %c0_i32 = arith.constant 0 : i32
    %c0_i32_0 = arith.constant 0 : i32
    %c0_i32_1 = arith.constant 0 : i32
    return %c0_i32, %c0_i32_0 : i32, i32
  }
  func.func @transform_4(%arg0: i32) -> (i32, i32) {
    %c0_i32 = arith.constant 0 : i32
    %c0_i32_0 = arith.constant 0 : i32
    %c0_i32_1 = arith.constant 0 : i32
    return %c0_i32, %c0_i32_0 : i32, i32
  }
  func.func @transform_5(%arg0: i32) -> (i32, i32) {
    %c0_i32 = arith.constant 0 : i32
    %c0_i32_0 = arith.constant 0 : i32
    %c0_i32_1 = arith.constant 0 : i32
    return %c0_i32, %c0_i32_0 : i32, i32
  }
  func.func @transform_6(%arg0: i32) -> (i32, i32) {
    %c0_i32 = arith.constant 0 : i32
    %c0_i32_0 = arith.constant 0 : i32
    %c0_i32_1 = arith.constant 0 : i32
    return %c0_i32, %c0_i32_0 : i32, i32
  }
  func.func @transform_7(%arg0: i32) -> (i32, i32) {
    %c0_i32 = arith.constant 0 : i32
    %c0_i32_0 = arith.constant 0 : i32
    return %arg0, %c0_i32 : i32, i32
  }
}

module attributes {stable_mosaic.version = 14 : i64} {
  func.func @_head_body(%arg0: memref<4x4096x128xf32, #tpu.memory_space<vmem>>, %arg1: memref<128x256xf32, #tpu.memory_space<vmem>>, %arg2: memref<256xf32, #tpu.memory_space<vmem>>, %arg3: memref<256xf32, #tpu.memory_space<vmem>>, %arg4: memref<256xf32, #tpu.memory_space<vmem>>, %arg5: memref<256x128xf32, #tpu.memory_space<vmem>>, %arg6: memref<128xf32, #tpu.memory_space<vmem>>, %arg7: memref<128xf32, #tpu.memory_space<vmem>>, %arg8: memref<128xf32, #tpu.memory_space<vmem>>, %arg9: memref<128x13xf32, #tpu.memory_space<vmem>>, %arg10: memref<13xf32, #tpu.memory_space<vmem>>, %arg11: memref<13xf32, #tpu.memory_space<vmem>>, %arg12: memref<13xf32, #tpu.memory_space<vmem>>, %arg13: memref<4x4096x13xf32, #tpu.memory_space<vmem>>) attributes {dimension_semantics = [], scalar_prefetch = 0 : i64, scratch_operands = 0 : i64, tpu.core_type = #tpu.core_type<tc>} {
    %get3A = arith.constant 0 : index
    %get3A_0 = arith.constant 0 : index
    %get3A_1 = arith.constant 0 : index
    %get3A_2 = vector.load %arg0[%get3A, %get3A_0, %get3A_1] : memref<4x4096x128xf32, #tpu.memory_space<vmem>>, vector<4x4096x128xf32>
    %get3A_3 = arith.constant 0 : index
    %get3A_4 = arith.constant 0 : index
    %get3A_5 = vector.load %arg1[%get3A_3, %get3A_4] : memref<128x256xf32, #tpu.memory_space<vmem>>, vector<128x256xf32>
    %dot_general3A = arith.constant dense<0.000000e+00> : vector<4x4096x256xf32>
    %dot_general3A_6 = tpu.matmul %get3A_2, %get3A_5, %dot_general3A {dimension_numbers = #tpu.dot_dimension_numbers<[2], [0], [0, 1], [1], [0, 0, 0, 1, 1, 1], [], []>, transpose_lhs_hint = false} : vector<4x4096x128xf32>, vector<128x256xf32>, vector<4x4096x256xf32> -> vector<4x4096x256xf32>
    %get3A_7 = arith.constant 0 : index
    %get3A_8 = vector.load %arg2[%get3A_7] : memref<256xf32, #tpu.memory_space<vmem>>, vector<256xf32>
    %broadcast_in_dim3A = vector.shape_cast %get3A_8 : vector<256xf32> to vector<1x1x256xf32>
    %add3A = vector.broadcast %broadcast_in_dim3A : vector<1x1x256xf32> to vector<4x4096x256xf32>
    %add3A_9 = arith.addf %dot_general3A_6, %add3A : vector<4x4096x256xf32>
    %get3A_10 = arith.constant 0 : index
    %get3A_11 = vector.load %arg3[%get3A_10] : memref<256xf32, #tpu.memory_space<vmem>>, vector<256xf32>
    %get3A_12 = arith.constant 0 : index
    %get3A_13 = vector.load %arg4[%get3A_12] : memref<256xf32, #tpu.memory_space<vmem>>, vector<256xf32>
    %reduce_sum3A = arith.constant dense<0.000000e+00> : vector<256xf32>
    %reduce_sum3A_14 = vector.multi_reduction <add>, %add3A_9, %reduce_sum3A [0, 1] : vector<4x4096x256xf32> to vector<256xf32>
    %broadcast_in_dim3A_15 = vector.shape_cast %reduce_sum3A_14 : vector<256xf32> to vector<1x1x256xf32>
    %div3A = arith.constant 1.638400e+04 : f32
    %div3A_16 = vector.broadcast %div3A : f32 to vector<1x1x256xf32>
    %div3A_17 = arith.divf %broadcast_in_dim3A_15, %div3A_16 : vector<1x1x256xf32>
    %sub3A = vector.broadcast %div3A_17 : vector<1x1x256xf32> to vector<4x4096x256xf32>
    %sub3A_18 = arith.subf %add3A_9, %sub3A : vector<4x4096x256xf32>
    %sub3A_19 = vector.broadcast %div3A_17 : vector<1x1x256xf32> to vector<4x4096x256xf32>
    %sub3A_20 = arith.subf %add3A_9, %sub3A_19 : vector<4x4096x256xf32>
    %mul3A = arith.mulf %sub3A_18, %sub3A_20 : vector<4x4096x256xf32>
    %reduce_sum3A_21 = arith.constant dense<0.000000e+00> : vector<256xf32>
    %reduce_sum3A_22 = vector.multi_reduction <add>, %mul3A, %reduce_sum3A_21 [0, 1] : vector<4x4096x256xf32> to vector<256xf32>
    %broadcast_in_dim3A_23 = vector.shape_cast %reduce_sum3A_22 : vector<256xf32> to vector<1x1x256xf32>
    %div3A_24 = arith.constant 1.638400e+04 : f32
    %div3A_25 = vector.broadcast %div3A_24 : f32 to vector<1x1x256xf32>
    %div3A_26 = arith.divf %broadcast_in_dim3A_23, %div3A_25 : vector<1x1x256xf32>
    %sub3A_27 = vector.broadcast %div3A_17 : vector<1x1x256xf32> to vector<4x4096x256xf32>
    %sub3A_28 = arith.subf %add3A_9, %sub3A_27 : vector<4x4096x256xf32>
    %add3A_29 = arith.constant 9.99999974E-6 : f32
    %add3A_30 = vector.broadcast %add3A_29 : f32 to vector<1x1x256xf32>
    %add3A_31 = arith.addf %div3A_26, %add3A_30 : vector<1x1x256xf32>
    %sqrt3A = math.sqrt %add3A_31 : vector<1x1x256xf32>
    %div3A_32 = vector.broadcast %sqrt3A : vector<1x1x256xf32> to vector<4x4096x256xf32>
    %div3A_33 = arith.divf %sub3A_28, %div3A_32 : vector<4x4096x256xf32>
    %broadcast_in_dim3A_34 = vector.shape_cast %get3A_11 : vector<256xf32> to vector<1x1x256xf32>
    %mul3A_35 = vector.broadcast %broadcast_in_dim3A_34 : vector<1x1x256xf32> to vector<4x4096x256xf32>
    %mul3A_36 = arith.mulf %div3A_33, %mul3A_35 : vector<4x4096x256xf32>
    %broadcast_in_dim3A_37 = vector.shape_cast %get3A_13 : vector<256xf32> to vector<1x1x256xf32>
    %add3A_38 = vector.broadcast %broadcast_in_dim3A_37 : vector<1x1x256xf32> to vector<4x4096x256xf32>
    %add3A_39 = arith.addf %mul3A_36, %add3A_38 : vector<4x4096x256xf32>
    %max3A = arith.constant 0.000000e+00 : f32
    %max3A_40 = vector.broadcast %max3A : f32 to vector<4x4096x256xf32>
    %max3A_41 = arith.maximumf %add3A_39, %max3A_40 : vector<4x4096x256xf32>
    %get3A_42 = arith.constant 0 : index
    %get3A_43 = arith.constant 0 : index
    %get3A_44 = vector.load %arg5[%get3A_42, %get3A_43] : memref<256x128xf32, #tpu.memory_space<vmem>>, vector<256x128xf32>
    %dot_general3A_45 = arith.constant dense<0.000000e+00> : vector<4x4096x128xf32>
    %dot_general3A_46 = tpu.matmul %max3A_41, %get3A_44, %dot_general3A_45 {dimension_numbers = #tpu.dot_dimension_numbers<[2], [0], [0, 1], [1], [0, 0, 0, 1, 1, 1], [], []>, transpose_lhs_hint = false} : vector<4x4096x256xf32>, vector<256x128xf32>, vector<4x4096x128xf32> -> vector<4x4096x128xf32>
    %get3A_47 = arith.constant 0 : index
    %get3A_48 = vector.load %arg6[%get3A_47] : memref<128xf32, #tpu.memory_space<vmem>>, vector<128xf32>
    %broadcast_in_dim3A_49 = vector.shape_cast %get3A_48 : vector<128xf32> to vector<1x1x128xf32>
    %add3A_50 = vector.broadcast %broadcast_in_dim3A_49 : vector<1x1x128xf32> to vector<4x4096x128xf32>
    %add3A_51 = arith.addf %dot_general3A_46, %add3A_50 : vector<4x4096x128xf32>
    %get3A_52 = arith.constant 0 : index
    %get3A_53 = vector.load %arg7[%get3A_52] : memref<128xf32, #tpu.memory_space<vmem>>, vector<128xf32>
    %get3A_54 = arith.constant 0 : index
    %get3A_55 = vector.load %arg8[%get3A_54] : memref<128xf32, #tpu.memory_space<vmem>>, vector<128xf32>
    %reduce_sum3A_56 = arith.constant dense<0.000000e+00> : vector<128xf32>
    %reduce_sum3A_57 = vector.multi_reduction <add>, %add3A_51, %reduce_sum3A_56 [0, 1] : vector<4x4096x128xf32> to vector<128xf32>
    %broadcast_in_dim3A_58 = vector.shape_cast %reduce_sum3A_57 : vector<128xf32> to vector<1x1x128xf32>
    %div3A_59 = arith.constant 1.638400e+04 : f32
    %div3A_60 = vector.broadcast %div3A_59 : f32 to vector<1x1x128xf32>
    %div3A_61 = arith.divf %broadcast_in_dim3A_58, %div3A_60 : vector<1x1x128xf32>
    %sub3A_62 = vector.broadcast %div3A_61 : vector<1x1x128xf32> to vector<4x4096x128xf32>
    %sub3A_63 = arith.subf %add3A_51, %sub3A_62 : vector<4x4096x128xf32>
    %sub3A_64 = vector.broadcast %div3A_61 : vector<1x1x128xf32> to vector<4x4096x128xf32>
    %sub3A_65 = arith.subf %add3A_51, %sub3A_64 : vector<4x4096x128xf32>
    %mul3A_66 = arith.mulf %sub3A_63, %sub3A_65 : vector<4x4096x128xf32>
    %reduce_sum3A_67 = arith.constant dense<0.000000e+00> : vector<128xf32>
    %reduce_sum3A_68 = vector.multi_reduction <add>, %mul3A_66, %reduce_sum3A_67 [0, 1] : vector<4x4096x128xf32> to vector<128xf32>
    %broadcast_in_dim3A_69 = vector.shape_cast %reduce_sum3A_68 : vector<128xf32> to vector<1x1x128xf32>
    %div3A_70 = arith.constant 1.638400e+04 : f32
    %div3A_71 = vector.broadcast %div3A_70 : f32 to vector<1x1x128xf32>
    %div3A_72 = arith.divf %broadcast_in_dim3A_69, %div3A_71 : vector<1x1x128xf32>
    %sub3A_73 = vector.broadcast %div3A_61 : vector<1x1x128xf32> to vector<4x4096x128xf32>
    %sub3A_74 = arith.subf %add3A_51, %sub3A_73 : vector<4x4096x128xf32>
    %add3A_75 = arith.constant 9.99999974E-6 : f32
    %add3A_76 = vector.broadcast %add3A_75 : f32 to vector<1x1x128xf32>
    %add3A_77 = arith.addf %div3A_72, %add3A_76 : vector<1x1x128xf32>
    %sqrt3A_78 = math.sqrt %add3A_77 : vector<1x1x128xf32>
    %div3A_79 = vector.broadcast %sqrt3A_78 : vector<1x1x128xf32> to vector<4x4096x128xf32>
    %div3A_80 = arith.divf %sub3A_74, %div3A_79 : vector<4x4096x128xf32>
    %broadcast_in_dim3A_81 = vector.shape_cast %get3A_53 : vector<128xf32> to vector<1x1x128xf32>
    %mul3A_82 = vector.broadcast %broadcast_in_dim3A_81 : vector<1x1x128xf32> to vector<4x4096x128xf32>
    %mul3A_83 = arith.mulf %div3A_80, %mul3A_82 : vector<4x4096x128xf32>
    %broadcast_in_dim3A_84 = vector.shape_cast %get3A_55 : vector<128xf32> to vector<1x1x128xf32>
    %add3A_85 = vector.broadcast %broadcast_in_dim3A_84 : vector<1x1x128xf32> to vector<4x4096x128xf32>
    %add3A_86 = arith.addf %mul3A_83, %add3A_85 : vector<4x4096x128xf32>
    %max3A_87 = arith.constant 0.000000e+00 : f32
    %max3A_88 = vector.broadcast %max3A_87 : f32 to vector<4x4096x128xf32>
    %max3A_89 = arith.maximumf %add3A_86, %max3A_88 : vector<4x4096x128xf32>
    %get3A_90 = arith.constant 0 : index
    %get3A_91 = arith.constant 0 : index
    %get3A_92 = vector.load %arg9[%get3A_90, %get3A_91] : memref<128x13xf32, #tpu.memory_space<vmem>>, vector<128x13xf32>
    %dot_general3A_93 = arith.constant dense<0.000000e+00> : vector<4x4096x13xf32>
    %dot_general3A_94 = tpu.matmul %max3A_89, %get3A_92, %dot_general3A_93 {dimension_numbers = #tpu.dot_dimension_numbers<[2], [0], [0, 1], [1], [0, 0, 0, 1, 1, 1], [], []>, transpose_lhs_hint = false} : vector<4x4096x128xf32>, vector<128x13xf32>, vector<4x4096x13xf32> -> vector<4x4096x13xf32>
    %get3A_95 = arith.constant 0 : index
    %get3A_96 = vector.load %arg10[%get3A_95] : memref<13xf32, #tpu.memory_space<vmem>>, vector<13xf32>
    %broadcast_in_dim3A_97 = vector.shape_cast %get3A_96 : vector<13xf32> to vector<1x1x13xf32>
    %add3A_98 = vector.broadcast %broadcast_in_dim3A_97 : vector<1x1x13xf32> to vector<4x4096x13xf32>
    %add3A_99 = arith.addf %dot_general3A_94, %add3A_98 : vector<4x4096x13xf32>
    %get3A_100 = arith.constant 0 : index
    %get3A_101 = vector.load %arg11[%get3A_100] : memref<13xf32, #tpu.memory_space<vmem>>, vector<13xf32>
    %get3A_102 = arith.constant 0 : index
    %get3A_103 = vector.load %arg12[%get3A_102] : memref<13xf32, #tpu.memory_space<vmem>>, vector<13xf32>
    %reduce_sum3A_104 = arith.constant dense<0.000000e+00> : vector<13xf32>
    %reduce_sum3A_105 = vector.multi_reduction <add>, %add3A_99, %reduce_sum3A_104 [0, 1] : vector<4x4096x13xf32> to vector<13xf32>
    %broadcast_in_dim3A_106 = vector.shape_cast %reduce_sum3A_105 : vector<13xf32> to vector<1x1x13xf32>
    %div3A_107 = arith.constant 1.638400e+04 : f32
    %div3A_108 = vector.broadcast %div3A_107 : f32 to vector<1x1x13xf32>
    %div3A_109 = arith.divf %broadcast_in_dim3A_106, %div3A_108 : vector<1x1x13xf32>
    %sub3A_110 = vector.broadcast %div3A_109 : vector<1x1x13xf32> to vector<4x4096x13xf32>
    %sub3A_111 = arith.subf %add3A_99, %sub3A_110 : vector<4x4096x13xf32>
    %sub3A_112 = vector.broadcast %div3A_109 : vector<1x1x13xf32> to vector<4x4096x13xf32>
    %sub3A_113 = arith.subf %add3A_99, %sub3A_112 : vector<4x4096x13xf32>
    %mul3A_114 = arith.mulf %sub3A_111, %sub3A_113 : vector<4x4096x13xf32>
    %reduce_sum3A_115 = arith.constant dense<0.000000e+00> : vector<13xf32>
    %reduce_sum3A_116 = vector.multi_reduction <add>, %mul3A_114, %reduce_sum3A_115 [0, 1] : vector<4x4096x13xf32> to vector<13xf32>
    %broadcast_in_dim3A_117 = vector.shape_cast %reduce_sum3A_116 : vector<13xf32> to vector<1x1x13xf32>
    %div3A_118 = arith.constant 1.638400e+04 : f32
    %div3A_119 = vector.broadcast %div3A_118 : f32 to vector<1x1x13xf32>
    %div3A_120 = arith.divf %broadcast_in_dim3A_117, %div3A_119 : vector<1x1x13xf32>
    %sub3A_121 = vector.broadcast %div3A_109 : vector<1x1x13xf32> to vector<4x4096x13xf32>
    %sub3A_122 = arith.subf %add3A_99, %sub3A_121 : vector<4x4096x13xf32>
    %add3A_123 = arith.constant 9.99999974E-6 : f32
    %add3A_124 = vector.broadcast %add3A_123 : f32 to vector<1x1x13xf32>
    %add3A_125 = arith.addf %div3A_120, %add3A_124 : vector<1x1x13xf32>
    %sqrt3A_126 = math.sqrt %add3A_125 : vector<1x1x13xf32>
    %div3A_127 = vector.broadcast %sqrt3A_126 : vector<1x1x13xf32> to vector<4x4096x13xf32>
    %div3A_128 = arith.divf %sub3A_122, %div3A_127 : vector<4x4096x13xf32>
    %broadcast_in_dim3A_129 = vector.shape_cast %get3A_101 : vector<13xf32> to vector<1x1x13xf32>
    %mul3A_130 = vector.broadcast %broadcast_in_dim3A_129 : vector<1x1x13xf32> to vector<4x4096x13xf32>
    %mul3A_131 = arith.mulf %div3A_128, %mul3A_130 : vector<4x4096x13xf32>
    %broadcast_in_dim3A_132 = vector.shape_cast %get3A_103 : vector<13xf32> to vector<1x1x13xf32>
    %add3A_133 = vector.broadcast %broadcast_in_dim3A_132 : vector<1x1x13xf32> to vector<4x4096x13xf32>
    %add3A_134 = arith.addf %mul3A_131, %add3A_133 : vector<4x4096x13xf32>
    %reduce_max3A = arith.constant dense<0xFF800000> : vector<4x4096xf32>
    %reduce_max3A_135 = vector.multi_reduction <maximumf>, %add3A_134, %reduce_max3A [2] : vector<4x4096x13xf32> to vector<4x4096xf32>
    %max3A_136 = arith.constant 0xFF800000 : f32
    %max3A_137 = vector.broadcast %max3A_136 : f32 to vector<4x4096xf32>
    %max3A_138 = arith.maximumf %max3A_137, %reduce_max3A_135 : vector<4x4096xf32>
    %broadcast_in_dim3A_139 = vector.shape_cast %max3A_138 : vector<4x4096xf32> to vector<4x4096x1xf32>
    %sub3A_140 = vector.broadcast %broadcast_in_dim3A_139 : vector<4x4096x1xf32> to vector<4x4096x13xf32>
    %sub3A_141 = arith.subf %add3A_134, %sub3A_140 : vector<4x4096x13xf32>
    %exp3A = math.exp %sub3A_141 : vector<4x4096x13xf32>
    %reduce_sum3A_142 = arith.constant dense<0.000000e+00> : vector<4x4096xf32>
    %reduce_sum3A_143 = vector.multi_reduction <add>, %exp3A, %reduce_sum3A_142 [2] : vector<4x4096x13xf32> to vector<4x4096xf32>
    %broadcast_in_dim3A_144 = vector.shape_cast %reduce_sum3A_143 : vector<4x4096xf32> to vector<4x4096x1xf32>
    %log3A = math.log %broadcast_in_dim3A_144 : vector<4x4096x1xf32>
    %sub3A_145 = vector.broadcast %log3A : vector<4x4096x1xf32> to vector<4x4096x13xf32>
    %sub3A_146 = arith.subf %sub3A_141, %sub3A_145 : vector<4x4096x13xf32>
    %swap3A = arith.constant 0 : index
    %swap3A_147 = arith.constant 0 : index
    %swap3A_148 = arith.constant 0 : index
    %swap3A_149 = vector.load %arg13[%swap3A, %swap3A_147, %swap3A_148] : memref<4x4096x13xf32, #tpu.memory_space<vmem>>, vector<4x4096x13xf32>
    tpu.vector_store %arg13[%swap3A, %swap3A_147, %swap3A_148], %sub3A_146 {strides = array<i32>} : memref<4x4096x13xf32, #tpu.memory_space<vmem>>, vector<4x4096x13xf32>,
    return
  }
}

</mosaic_0001>

<sc_bundles>
// kernel: kernel.11.cloned.1.call-start
scs
__scs_entry_jumppad:
0x0: {  	(pc) =	sbr.rel $0x88, $3  }
0x1: {  	(tag) =	ssettag $0x0;
	lr =	simm.s32 $0x1  }
0x2: {  	[smem:$0x3F68] =	sst lr;
	_ =	strace $0xD0000000  }
0x3: {  	_ = 	snop  }
0x4: {  	_ = 	snop  }
0x5: {  	_ = 	snop  }
0x6: {  	_ = 	snop  }
0x7: {  	_ = 	snop  }
__scs_overlays_trampoline_lowered:
0x8: {  	[smem:$0x3F77] =	sst s0  }
0x9: {  	[smem:$0x3F78] =	sst s1  }
0xa: {  	[smem:$0x3F79] =	sst s2  }
0xb: {  	[smem:$0x3F7A] =	sst s3  }
0xc: {  	[smem:$0x3F7B] =	sst s4  }
0xd: {  	[smem:$0x3F7C] =	sst s5  }
0xe: {  	[smem:$0x3F7D] =	sst s6  }
0xf: {  	[smem:$0x3F7E] =	sst s7  }
0x10: {  	[smem:$0x3F7F] =	sst s8  }
0x11: {  	[smem:$0x3F80] =	sst s9;
	s0 =	simm.s32 @!p0 $0x0  }
0x12: {  	s1 =	sld [smem:$0x3F66];
	s0 =	simm.s32 @p0 $0x1  }
0x13: {  	[smem:$0x3F81] =	sst s0;
	s0 =	simm.s32 @!p1 $0x0  }
0x14: {  	s2 =	sld [smem:$0x3F65];
	s0 =	simm.s32 @p1 $0x1  }
0x15: {  	[smem:$0x3F82] =	sst s0;
	s0 =	simm.s32 @!p2 $0x0  }
0x16: {  	s3 =	sld [smem:$0x3FDB];
	s0 =	simm.s32 @p2 $0x1  }
0x17: {  	s4 =	simm.s32 $0x1BF5;
	[smem:$0x3F84] =	sst s0  }
0x18: {  	s0 =	sld [smem:$0x3F67];
	_ =	swait.ge [sflag:s4], $0x0  }
0x19: {  	s7 =	sld [smem:$0x3F68]  }
0x1a: {  	s8 =	sadd.s32 $0xFFFFE003, lr  }
0x1b: {  	s9 =	sadd.s32 $0xFFFFFEF7, lr;
	s5 =	simm.s32 $0xFFFFFFFF;
	p2 =	slt.u32 s8, $0xFFFFF086  }
0x1c: {  	p1 =	slt.u32 s9, $0xF7A;
	s5 =	simm.s32 @!p2 $0x0  }
0x1d: {  	s5 =	simm.s32 @p1 $0x1;
	p0 =	seq.s32 s7, s2  }
0x1e: {  	s7 =	smul.u32 @!p0 $0xF7A, s2;
	p2 =	seq.s32 @!p0 s5, $0x0  }
0x1f: {  	s9 =	smul.u32 $0xF7A, s1;
	s8 =	simm.s32 @!p0 $0x1BF5;
	p2 =	por !p2, p0  }
0x20: {  	[sflag:s8] =	ssyncset.s32 @!p0 $0xFFFFF086;
	s6 =	sadd.s32 @!p0 s3, s7;
	s7 =	simm.s32 @!p0 $0x108  }
0x21: {  	s3 =	sadd.s32 s3, s9;
	s6 =	sadd.s32 @!p0 $0x88, s6;
	s7 =	simm.s32 @p2 $0x1082  }
0x22: {  	[simem:s7], [sflag:s8] =	dma.local @!p0 [hbm:s6], $0xF7A  }
0x23: {  	s9 =	sor.u32 $0xD0000000, s2;
	s6 =	simm.s32 $0x108;
	_ =	swait.ge @!p0 [sflag:s8], $0x0  }
0x24: {  	s3 =	sadd.s32 $0x88, s3;
	s6 =	simm.s32 @!p1 $0x1082;
	[sflag:s4] =	ssyncset.s32 $0xFFFFF086  }
0x25: {  	[simem:s6], [sflag:s4] =	dma.local [hbm:s3], $0xF7A  }
0x26: {  	[smem:$0x3F68] =	sst s1;
	(tag) =	ssettag s2;
	_ =	strace s9  }
0x27: {  	s1 =	sld [smem:$0x3F78]  }
0x28: {  	s2 =	sld [smem:$0x3F79]  }
0x29: {  	s4 =	sld [smem:$0x3F7B]  }
0x2a: {  	p0 =	seq.s32 s5, $0x0;
	s5 =	sld [smem:$0x3F7C]  }
0x2b: {  	s6 =	sld [smem:$0x3F7D]  }
0x2c: {  	s7 =	sld [smem:$0x3F7E]  }
0x2d: {  	s3 =	simm.s32 $0x108;
	s8 =	sld [smem:$0x3F7F]  }
0x2e: {  	s3 =	simm.s32 @!p0 $0x1082;
	s9 =	sld [smem:$0x3F80]  }
0x2f: {  	lr =	sadd.s32 s0, s3;
	s0 =	sld [smem:$0x3F77]  }
0x30: {  	s3 =	sld [smem:$0x3F7A]  }
0x31: {  	[smem:$0x3F83] =	sst s10  }
0x32: {  	s10 =	sld [smem:$0x3F81];
	_ =	sdelay $0x3  }
0x33: {  	p0 =	seq.s32 s10, $0x1;
	s10 =	sld [smem:$0x3F83];
	_ =	sdelay $0x3  }
0x34: {  	[smem:$0x3F83] =	sst s10  }
0x35: {  	s10 =	sld [smem:$0x3F82];
	_ =	sdelay $0x3  }
0x36: {  	p1 =	seq.s32 s10, $0x1;
	s10 =	sld [smem:$0x3F83];
	_ =	sdelay $0x3  }
0x37: {  	[smem:$0x3F83] =	sst s10  }
0x38: {  	s10 =	sld [smem:$0x3F84]  }
0x39: {  	_ = 	snop;
	(pc) =	sbr.ind lr, $3  }
0x3a: {  	_ = 	snop  }
0x3b: {  	_ = 	snop  }
0x3c: {  	p2 =	seq.s32 s10, $0x1;
	s10 =	sld [smem:$0x3F83]  }
0x3d: {  	_ =	shalt  }
0x3e: {  	_ =	shalt  }
0x3f: {  	_ =	shalt  }
0x40: {  	_ =	shalt  }
0x41: {  	_ =	shalt  }
0x42: {  	_ =	shalt  }
0x43: {  	_ =	shalt  }
0x44: {  	_ =	shalt  }
0x45: {  	_ =	shalt  }
0x46: {  	_ =	shalt  }
0x47: {  	_ =	shalt  }
0x48: {  	_ =	shalt  }
0x49: {  	_ =	shalt  }
0x4a: {  	_ =	shalt  }
0x4b: {  	_ =	shalt  }
0x4c: {  	_ =	shalt  }
0x4d: {  	_ =	shalt  }
0x4e: {  	_ =	shalt  }
0x4f: {  	_ =	shalt  }
0x50: {  	_ =	shalt  }
0x51: {  	_ =	shalt  }
0x52: {  	_ =	shalt  }
0x53: {  	_ =	shalt  }
0x54: {  	_ =	shalt  }
0x55: {  	_ =	shalt  }
0x56: {  	_ =	shalt  }
0x57: {  	_ =	shalt  }
0x58: {  	_ =	shalt  }
0x59: {  	_ =	shalt  }
0x5a: {  	_ =	shalt  }
0x5b: {  	_ =	shalt  }
0x5c: {  	_ =	shalt  }
0x5d: {  	_ =	shalt  }
0x5e: {  	_ =	shalt  }
0x5f: {  	_ =	shalt  }
0x60: {  	_ =	shalt  }
0x61: {  	_ =	shalt  }
0x62: {  	_ =	shalt  }
0x63: {  	_ =	shalt  }
0x64: {  	_ =	shalt  }
0x65: {  	_ =	shalt  }
0x66: {  	_ =	shalt  }
0x67: {  	_ =	shalt  }
0x68: {  	_ =	shalt  }
0x69: {  	_ =	shalt  }
0x6a: {  	_ =	shalt  }
0x6b: {  	_ =	shalt  }
0x6c: {  	_ =	shalt  }
0x6d: {  	_ =	shalt  }
0x6e: {  	_ =	shalt  }
0x6f: {  	_ =	shalt  }
0x70: {  	_ =	shalt  }
0x71: {  	_ =	shalt  }
0x72: {  	_ =	shalt  }
0x73: {  	_ =	shalt  }
0x74: {  	_ =	shalt  }
0x75: {  	_ =	shalt  }
0x76: {  	_ =	shalt  }
0x77: {  	_ =	shalt  }
0x78: {  	_ =	shalt  }
0x79: {  	_ =	shalt  }
0x7a: {  	_ =	shalt  }
0x7b: {  	_ =	shalt  }
0x7c: {  	_ =	shalt  }
0x7d: {  	_ =	shalt  }
0x7e: {  	_ =	shalt  }
0x7f: {  	_ =	shalt  }
0x80: {  	_ =	shalt  }
0x81: {  	_ =	shalt  }
0x82: {  	_ =	shalt  }
0x83: {  	_ =	shalt  }
0x84: {  	_ =	shalt  }
0x85: {  	_ =	shalt  }
0x86: {  	_ =	shalt  }
0x87: {  	_ =	shalt  }
.Lfunc_end0:
.L_simem_size_0:
called_computation.1_lowered:
.L_overlay_start_0:
0x88: {  	s2 =	sld [smem:$0x3FD9]  }
0x89: {  	s3 =	sld [smem:$0x3FFE];
	_ =	sdelay $0x1  }
0x8a: {  	s1 =	srdreg.scid  }
0x8b: {  	s0 =	sand.u32 $0x1, s1  }
0x8c: {  	s16 =	sshll.u32 s0, $0xA;
	s2 =	sadd.s32 s3, s2  }
0x8d: {  	s2 =	sadd.s32 s2, s16  }
0x8e: {  	[smem:$0x3F8F] =	sst s2  }
0x8f: {  	_ = 	snop  }
0x90: {  	(tm) =	ssettm $0x1  }
0x91: {  	s17 =	sld [smem:$0x3FFB];
	_ =	sdelay $0x3  }
0x92: {  	_ =	strace s17  }
0x93: {  	s2 =	sld [smem:$0x3FFC];
	_ =	sdelay $0x3  }
0x94: {  	_ =	strace s2  }
0x95: {  	s2 =	sld [smem:$0x3FFD];
	_ =	sdelay $0x3  }
0x96: {  	_ =	strace s2  }
0x97: {  	_ =	strace $0x8FFFFFFF  }
0x98: {  	s18 =	sld [smem:$0x3FDB];
	_ =	sdelay $0x1  }
0x99: {  	s19 =	simm.s32 $_scs_section_size  }
0x9a: {  	s4 =	simm.s32 $_size__tile_overlayer_lowered;
	s5 =	simm.s32 $_tile_overlayer_lowered  }
0x9b: {  	s22 =	simm.s32 $0x1BFF;
	s21 =	sshll.u32 s5, $0x1;
	s2 =	sadd.s32 s19, s18  }
0x9c: {  	s6 =	simm.s32 $0x0;
	s20 =	sshll.u32 s4, $0x1;
	s4 =	sadd.s32 s21, s2  }
0x9d: {  	[timem:s6], [sflag:s22] =	dma.local [hbm:s4], s20  }
0x9e: {  	_ =	swait.ge [sflag:s22], s20  }
0x9f: {  	s3 =	ssub.s32 $0x0, s20;
	[sflag:s22] =	ssyncset.done $0x0  }
0xa0: {  	[sflag:s22] =	ssyncadd.s32 s3;
	_ =	sdelay $0x1  }
0xa1: {  	s23 =	simm.s32 $0x1B8B  }
0xa2: {  	_ =	swait.ge [sflag:s23], $0x1  }
0xa3: {  	[sflag:s23] =	ssyncset.done $0x0  }
0xa4: {  	s25 =	simm.s32 $0x1B8E;
	s24 =	sld [smem:$0x3FFE];
	[sflag:s23] =	ssyncadd.s32 $0xFFFFFFFF  }
0xa5: {  	s26 =	simm.s32 $execute0_lowered;
	[smem:$0x3FD2] =	sst s25  }
0xa6: {  	s4 =	sshll.u32 s26, $0x1;
	_ =	strace $0x80000046;
	[dreg:$0x1] =	wrdreg $0xFFFFFFFF  }
0xa7: {  	s28 =	simm.s32 $_size_execute0_lowered;
	s2 =	sadd.s32 s2, s4;
	[dreg:$0x0] =	wrdreg $0x0  }
0xa8: {  	s4 =	sshll.u32 s28, $0x1;
	[dreg:$0x2] =	wrdreg s2  }
0xa9: {  	[dreg:$0x3] =	wrdreg s4  }
0xaa: {  	[dreg:$0x4] =	wrdreg $0xC0  }
0xab: {  	_ =	task [dreg:s6], $0x5FFFF  }
0xac: {  	[dreg:$0x1] =	wrdreg $0xFFFFFFFF  }
0xad: {  	[dreg:$0x0] =	wrdreg $0x60  }
0xae: {  	[dreg:$0x2] =	wrdreg s24  }
0xaf: {  	[dreg:$0x3] =	wrdreg $0xA  }
0xb0: {  	_ =	task.clear_ibuf [dreg:s6], $0x4FFFF;
	_ =	strace $0x90000046  }
0xb1: {  	s29 =	simm.s32 $0xA;
	_ =	strace $0x80000048  }
0xb2: {  	_ =	swait.ge [sflag:s29], $0x1  }
0xb3: {  	[sflag:s29] =	ssyncadd.s32 $0xFFFFFFFF  }
0xb4: {  	_ =	strace $0x90000048  }
0xb5: {  	_ =	sfence  }
0xb6: {  	s30 =	sld [smem:$0x0];
	_ =	sdelay $0x2  }
0xb7: {  	s31 =	sshll.u32 s1, $0xD;
	s1 =	sshrl.u32 s1, $0x2  }
0xb8: {  	s3 =	sand.u32 $0x4000, s31;
	s1 =	sadd.s32 s1, s30  }
0xb9: {  	s0 =	sor.u32 s3, s0;
	s1 =	sshll.u32 s1, $0x11  }
0xba: {  	s0 =	sor.u32 s1, s0  }
0xbb: {  	s0 =	sadd.s32 $0x8F2B, s0  }
0xbc: {  	[sflag:s0] =	ssyncadd.remote.s32 $0x1  }
0xbd: {  	_ =	sfence.sel $0xFFFF  }
0xbe: {  	[dreg:$0x0] =	wrdreg $0xFFFFFFFF;
	(pc) =	sbr.abs _section_cstart, $3  }
0xbf: {  	[dreg:$0x1] =	wrdreg $0xFFFFFFFF  }
0xc0: {  	_ =	task.clear_ibuf [dreg:s6], $0x2FFFF;
	_ =	strace $0x9FFFFFFF  }
0xc1: {  	(tm) =	ssettm $0x7FFFFFFF  }
tec
execute0_lowered:
.L_overlay_start_1:
0x0: {  	(tag) =	ssettag $0x1  }
0x1: {  	s4 =	rddreg [dreg:$0x0]  }
0x2: {  	s0 =	rddreg [dreg:$0x1];
	s2 =	simm.s32 $0x0;
	s3 =	srdreg.scid  }
0x3: {  	s1 =	stileid.u32;
	s10 =	simm.s32 $0x0;
	[smem:$0x7FF] =	sst s2  }
0x4: {  	s5 =	sand.u32 $0x1, s3;
	s6 =	sshll.u32 s1, $0xF;
	s3 =	sadd.s32 $0x50800, s4  }
0x5: {  	s8 =	sshll.u32 s1, $0x13;
	_ =	strace $0x80000047;
	s7 =	sshll.u32 s5, $0xE  }
0x6: {  	s31 =	ssub.s32 $0x2, s5;
	s8 =	sadd.s32 s8, s4;
	s5 =	sshll.u32 s5, $0x12  }
0x7: {  	s6 =	sor.u32 s7, s6;
	s9 =	sshrl.u32 s31, $0x1;
	s5 =	sadd.s32 s5, s8  }
0x8: {  	s8 =	simm.s32 $0x80;
	s6 =	sshrl.u32 s6, $0x3;
	s7 =	ssub.s32 s31, s9  }
0x9: {  	s5 =	sadd.s32 $0x90800, s5;
	s9 =	simm.s32 $0x1;
	s6 =	sadd.s32 s6, s4  }
0xa: {  	s4 =	smax.u32 s7, $0x1;
	s7 =	simm.s32 $0x2;
	s6 =	sadd.s32 $0x40800, s6  }
.LBB2_1:
0xb: {  	s11 =	sadd.s32 $0x0, s6  }
0xc: {  	[tilespmem:s2], [sflag:$0x2] =	stream.linear.gather [hbm4b:s11+s2], $0x80, $0x38;
	[tilespmem:$0x4080] =	vst v63  }
0xd: {  	_ =	swait.ge [sflag:s7], $0x80  }
0xe: {  	[sflag:s7] =	ssyncset.done $0x0  }
0xf: {  	[sflag:s7] =	ssyncadd.s32 $0xFFFFFF80  }
0x10: {  	[tilespmem:s8], [sflag:$0x1] =	stream.indirect.gather [hbm4b:s3+s8], $0x80, s2, s8, $0xb8;
	[tilespmem:$0x4080] =	vst v63  }
0x11: {  	_ =	swait.ge [sflag:s9], $0x4000  }
0x12: {  	[sflag:s9] =	ssyncset.done $0x0  }
0x13: {  	[sflag:s9] =	ssyncadd.s32 $0xFFFFC000  }
0x14: {  	[hbm4b:s5+s2] =	stream.linear.scatter [tilespmem:s8], [sflag:$0x2], $0x4000, $0x38;
	[tilespmem:$0x4080] =	vst v63  }
0x15: {  	s12 =	simm.s32 $0x10;
	_ =	swait.ge [sflag:s7], $0x4000  }
0x16: {  	s13 =	simm.s32 $0x20;
	s11 =	sadd.s32 $0x800, s5;
	[sflag:s7] =	ssyncset.done $0x0  }
.LBB2_2:
0x17: {  	s14 =	sadd.s32 s12, s6  }
0x18: {  	[sflag:s7] =	ssyncadd.s32 $0xFFFFC000;
	s12 =	smov.u32 s13;
	s15 =	sadd.s32 $0x10, s13  }
0x19: {  	[tilespmem:s2], [sflag:$0x2] =	stream.linear.gather [hbm4b:s14+s2], $0x80, $0x38;
	[tilespmem:$0x4080] =	vst v63  }
0x1a: {  	p0 =	sne.s32 s13, $0x7F0;
	_ =	swait.ge [sflag:s7], $0x80  }
0x1b: {  	[sflag:s7] =	ssyncset.done $0x0  }
0x1c: {  	[sflag:s7] =	ssyncadd.s32 $0xFFFFFF80  }
0x1d: {  	[tilespmem:s8], [sflag:$0x1] =	stream.indirect.gather [hbm4b:s3+s8], $0x80, s2, s8, $0xb8;
	[tilespmem:$0x4080] =	vst v63  }
0x1e: {  	_ =	swait.ge [sflag:s9], $0x4000  }
.Ltmp0:
0x1f: {  	[sflag:s9] =	ssyncset.done $0x0;
	(pc) =	sbr.rel @p0 .LBB2_2-.Ltmp0, $4  }
0x20: {  	[sflag:s9] =	ssyncadd.s32 $0xFFFFC000  }
0x21: {  	[hbm4b:s11+s2] =	stream.linear.scatter [tilespmem:s8], [sflag:$0x2], $0x4000, $0x38;
	[tilespmem:$0x4080] =	vst v63  }
0x22: {  	_ =	swait.ge [sflag:s7], $0x4000  }
0x23: {  	s13 =	smov.u32 s15;
	s11 =	sadd.s32 $0x800, s11;
	[sflag:s7] =	ssyncset.done $0x0  }
0x24: {  	s12 =	sadd.s32 s12, s6;
	[sflag:s7] =	ssyncadd.s32 $0xFFFFC000  }
0x25: {  	[tilespmem:s2], [sflag:$0x2] =	stream.linear.gather [hbm4b:s12+s2], $0x80, $0x38;
	[tilespmem:$0x4080] =	vst v63  }
0x26: {  	_ =	swait.ge [sflag:s7], $0x80  }
0x27: {  	[sflag:s7] =	ssyncset.done $0x0  }
0x28: {  	[sflag:s7] =	ssyncadd.s32 $0xFFFFFF80  }
0x29: {  	[tilespmem:s8], [sflag:$0x1] =	stream.indirect.gather [hbm4b:s3+s8], $0x80, s2, s8, $0xb8;
	[tilespmem:$0x4080] =	vst v63  }
0x2a: {  	s10 =	sadd.s32 $0x1, s10;
	_ =	swait.ge [sflag:s9], $0x4000  }
0x2b: {  	p0 =	sne.s32 s10, s4;
	[sflag:s9] =	ssyncset.done $0x0  }
.Ltmp1:
0x2c: {  	[sflag:s9] =	ssyncadd.s32 $0xFFFFC000;
	(pc) =	sbr.rel @p0 .LBB2_1-.Ltmp1, $4  }
0x2d: {  	[hbm4b:s11+s2] =	stream.linear.scatter [tilespmem:s8], [sflag:$0x2], $0x4000, $0x38;
	[tilespmem:$0x4080] =	vst v63  }
0x2e: {  	_ =	swait.ge [sflag:s7], $0x4000  }
0x2f: {  	[sflag:s7] =	ssyncset.done $0x0  }
0x30: {  	[sflag:s7] =	ssyncadd.s32 $0xFFFFC000  }
0x31: {  	_ =	sfence.sel $0x180000  }
0x32: {  	[bflag:$0x0] =	sbarrier.arrive $0xFFFF  }
0x33: {  	p0 =	sne.s32 s1, $0x0;
	_ =	strace $0x90000047  }
0x34: {  	s0 =	sadd.s32 @!p0 $0x100000, s0;
	[bflag:$0x2] =	sbarrier.arrive $0xFFFF  }
0x35: {  	[sflag:s0] =	ssyncadd.tile.s32 @!p0 $0x1;
	_ =	shalt  }
.Lfunc_end2:
_tile_overlayer_lowered:
.L_overlay_start_2:
0x36: {  	(tag) =	ssettag $0x2  }
0x37: {  	s0 =	rddreg [dreg:$0x0];
	s2 =	stileid.u32  }
0x38: {  	s1 =	rddreg [dreg:$0x1];
	p0 =	sne.s32 s2, $0x0  }
0x39: {  	s3 =	rddreg [dreg:$0x2];
	[bflag:$0x3] =	sbarrier.arrive $0xFFFF;
	s2 =	simm.s32 @!p0 $0x1C02  }
0x3a: {  	[timem:s3], [sflag:s2] =	dma.local @!p0 [hbm:s0], s1  }
0x3b: {  	s0 =	simm.s32 @!p0 $0x2  }
0x3c: {  	_ =	swait.ge @!p0 [sflag:s0], s1  }
0x3d: {  	s1 =	ssub.s32 @!p0 $0x0, s1;
	[sflag:s0] =	ssyncset.done @!p0 $0x0  }
0x3e: {  	[sflag:s0] =	ssyncadd.s32 @!p0 s1  }
0x3f: {  	[bflag:$0x3] =	sbarrier.arrive $0xFFFF  }
0x40: {  	_ =	shalt  }

// kernel: kernel.14.cloned.1.call-start
scs
__scs_entry_jumppad:
0x0: {  	(pc) =	sbr.rel $0x88, $3  }
0x1: {  	(tag) =	ssettag $0x0;
	lr =	simm.s32 $0x1  }
0x2: {  	[smem:$0x3F68] =	sst lr;
	_ =	strace $0xD0000000  }
0x3: {  	_ = 	snop  }
0x4: {  	_ = 	snop  }
0x5: {  	_ = 	snop  }
0x6: {  	_ = 	snop  }
0x7: {  	_ = 	snop  }
__scs_overlays_trampoline_lowered:
0x8: {  	[smem:$0x3F77] =	sst s0  }
0x9: {  	[smem:$0x3F78] =	sst s1  }
0xa: {  	[smem:$0x3F79] =	sst s2  }
0xb: {  	[smem:$0x3F7A] =	sst s3  }
0xc: {  	[smem:$0x3F7B] =	sst s4  }
0xd: {  	[smem:$0x3F7C] =	sst s5  }
0xe: {  	[smem:$0x3F7D] =	sst s6  }
0xf: {  	[smem:$0x3F7E] =	sst s7  }
0x10: {  	[smem:$0x3F7F] =	sst s8  }
0x11: {  	[smem:$0x3F80] =	sst s9;
	s0 =	simm.s32 @!p0 $0x0  }
0x12: {  	s1 =	sld [smem:$0x3F66];
	s0 =	simm.s32 @p0 $0x1  }
0x13: {  	[smem:$0x3F81] =	sst s0;
	s0 =	simm.s32 @!p1 $0x0  }
0x14: {  	s2 =	sld [smem:$0x3F65];
	s0 =	simm.s32 @p1 $0x1  }
0x15: {  	[smem:$0x3F82] =	sst s0;
	s0 =	simm.s32 @!p2 $0x0  }
0x16: {  	s3 =	sld [smem:$0x3FDB];
	s0 =	simm.s32 @p2 $0x1  }
0x17: {  	s4 =	simm.s32 $0x1BF5;
	[smem:$0x3F84] =	sst s0  }
0x18: {  	s0 =	sld [smem:$0x3F67];
	_ =	swait.ge [sflag:s4], $0x0  }
0x19: {  	s7 =	sld [smem:$0x3F68]  }
0x1a: {  	s8 =	sadd.s32 $0xFFFFE003, lr  }
0x1b: {  	s9 =	sadd.s32 $0xFFFFFEF7, lr;
	s5 =	simm.s32 $0xFFFFFFFF;
	p2 =	slt.u32 s8, $0xFFFFF086  }
0x1c: {  	p1 =	slt.u32 s9, $0xF7A;
	s5 =	simm.s32 @!p2 $0x0  }
0x1d: {  	s5 =	simm.s32 @p1 $0x1;
	p0 =	seq.s32 s7, s2  }
0x1e: {  	s7 =	smul.u32 @!p0 $0xF7A, s2;
	p2 =	seq.s32 @!p0 s5, $0x0  }
0x1f: {  	s9 =	smul.u32 $0xF7A, s1;
	s8 =	simm.s32 @!p0 $0x1BF5;
	p2 =	por !p2, p0  }
0x20: {  	[sflag:s8] =	ssyncset.s32 @!p0 $0xFFFFF086;
	s6 =	sadd.s32 @!p0 s3, s7;
	s7 =	simm.s32 @!p0 $0x108  }
0x21: {  	s3 =	sadd.s32 s3, s9;
	s6 =	sadd.s32 @!p0 $0x88, s6;
	s7 =	simm.s32 @p2 $0x1082  }
0x22: {  	[simem:s7], [sflag:s8] =	dma.local @!p0 [hbm:s6], $0xF7A  }
0x23: {  	s9 =	sor.u32 $0xD0000000, s2;
	s6 =	simm.s32 $0x108;
	_ =	swait.ge @!p0 [sflag:s8], $0x0  }
0x24: {  	s3 =	sadd.s32 $0x88, s3;
	s6 =	simm.s32 @!p1 $0x1082;
	[sflag:s4] =	ssyncset.s32 $0xFFFFF086  }
0x25: {  	[simem:s6], [sflag:s4] =	dma.local [hbm:s3], $0xF7A  }
0x26: {  	[smem:$0x3F68] =	sst s1;
	(tag) =	ssettag s2;
	_ =	strace s9  }
0x27: {  	s1 =	sld [smem:$0x3F78]  }
0x28: {  	s2 =	sld [smem:$0x3F79]  }
0x29: {  	s4 =	sld [smem:$0x3F7B]  }
0x2a: {  	p0 =	seq.s32 s5, $0x0;
	s5 =	sld [smem:$0x3F7C]  }
0x2b: {  	s6 =	sld [smem:$0x3F7D]  }
0x2c: {  	s7 =	sld [smem:$0x3F7E]  }
0x2d: {  	s3 =	simm.s32 $0x108;
	s8 =	sld [smem:$0x3F7F]  }
0x2e: {  	s3 =	simm.s32 @!p0 $0x1082;
	s9 =	sld [smem:$0x3F80]  }
0x2f: {  	lr =	sadd.s32 s0, s3;
	s0 =	sld [smem:$0x3F77]  }
0x30: {  	s3 =	sld [smem:$0x3F7A]  }
0x31: {  	[smem:$0x3F83] =	sst s10  }
0x32: {  	s10 =	sld [smem:$0x3F81];
	_ =	sdelay $0x3  }
0x33: {  	p0 =	seq.s32 s10, $0x1;
	s10 =	sld [smem:$0x3F83];
	_ =	sdelay $0x3  }
0x34: {  	[smem:$0x3F83] =	sst s10  }
0x35: {  	s10 =	sld [smem:$0x3F82];
	_ =	sdelay $0x3  }
0x36: {  	p1 =	seq.s32 s10, $0x1;
	s10 =	sld [smem:$0x3F83];
	_ =	sdelay $0x3  }
0x37: {  	[smem:$0x3F83] =	sst s10  }
0x38: {  	s10 =	sld [smem:$0x3F84]  }
0x39: {  	_ = 	snop;
	(pc) =	sbr.ind lr, $3  }
0x3a: {  	_ = 	snop  }
0x3b: {  	_ = 	snop  }
0x3c: {  	p2 =	seq.s32 s10, $0x1;
	s10 =	sld [smem:$0x3F83]  }
0x3d: {  	_ =	shalt  }
0x3e: {  	_ =	shalt  }
0x3f: {  	_ =	shalt  }
0x40: {  	_ =	shalt  }
0x41: {  	_ =	shalt  }
0x42: {  	_ =	shalt  }
0x43: {  	_ =	shalt  }
0x44: {  	_ =	shalt  }
0x45: {  	_ =	shalt  }
0x46: {  	_ =	shalt  }
0x47: {  	_ =	shalt  }
0x48: {  	_ =	shalt  }
0x49: {  	_ =	shalt  }
0x4a: {  	_ =	shalt  }
0x4b: {  	_ =	shalt  }
0x4c: {  	_ =	shalt  }
0x4d: {  	_ =	shalt  }
0x4e: {  	_ =	shalt  }
0x4f: {  	_ =	shalt  }
0x50: {  	_ =	shalt  }
0x51: {  	_ =	shalt  }
0x52: {  	_ =	shalt  }
0x53: {  	_ =	shalt  }
0x54: {  	_ =	shalt  }
0x55: {  	_ =	shalt  }
0x56: {  	_ =	shalt  }
0x57: {  	_ =	shalt  }
0x58: {  	_ =	shalt  }
0x59: {  	_ =	shalt  }
0x5a: {  	_ =	shalt  }
0x5b: {  	_ =	shalt  }
0x5c: {  	_ =	shalt  }
0x5d: {  	_ =	shalt  }
0x5e: {  	_ =	shalt  }
0x5f: {  	_ =	shalt  }
0x60: {  	_ =	shalt  }
0x61: {  	_ =	shalt  }
0x62: {  	_ =	shalt  }
0x63: {  	_ =	shalt  }
0x64: {  	_ =	shalt  }
0x65: {  	_ =	shalt  }
0x66: {  	_ =	shalt  }
0x67: {  	_ =	shalt  }
0x68: {  	_ =	shalt  }
0x69: {  	_ =	shalt  }
0x6a: {  	_ =	shalt  }
0x6b: {  	_ =	shalt  }
0x6c: {  	_ =	shalt  }
0x6d: {  	_ =	shalt  }
0x6e: {  	_ =	shalt  }
0x6f: {  	_ =	shalt  }
0x70: {  	_ =	shalt  }
0x71: {  	_ =	shalt  }
0x72: {  	_ =	shalt  }
0x73: {  	_ =	shalt  }
0x74: {  	_ =	shalt  }
0x75: {  	_ =	shalt  }
0x76: {  	_ =	shalt  }
0x77: {  	_ =	shalt  }
0x78: {  	_ =	shalt  }
0x79: {  	_ =	shalt  }
0x7a: {  	_ =	shalt  }
0x7b: {  	_ =	shalt  }
0x7c: {  	_ =	shalt  }
0x7d: {  	_ =	shalt  }
0x7e: {  	_ =	shalt  }
0x7f: {  	_ =	shalt  }
0x80: {  	_ =	shalt  }
0x81: {  	_ =	shalt  }
0x82: {  	_ =	shalt  }
0x83: {  	_ =	shalt  }
0x84: {  	_ =	shalt  }
0x85: {  	_ =	shalt  }
0x86: {  	_ =	shalt  }
0x87: {  	_ =	shalt  }
.Lfunc_end0:
.L_simem_size_0:
called_computation.2_lowered:
.L_overlay_start_0:
0x88: {  	s2 =	sld [smem:$0x3FD9]  }
0x89: {  	s3 =	sld [smem:$0x3FFE];
	_ =	sdelay $0x1  }
0x8a: {  	s1 =	srdreg.scid  }
0x8b: {  	s0 =	sand.u32 $0x1, s1  }
0x8c: {  	s17 =	sshll.u32 s0, $0xA;
	s2 =	sadd.s32 s3, s2  }
0x8d: {  	s2 =	sadd.s32 s2, s17  }
0x8e: {  	[smem:$0x3F8F] =	sst s2  }
0x8f: {  	_ = 	snop  }
0x90: {  	s18 =	sld [smem:$0x3FD0];
	(tm) =	ssettm $0x1  }
0x91: {  	s19 =	sld [smem:$0x3FFB];
	_ =	sdelay $0x3  }
0x92: {  	_ =	strace s19  }
0x93: {  	s2 =	sld [smem:$0x3FFC];
	_ =	sdelay $0x3  }
0x94: {  	_ =	strace s2  }
0x95: {  	s2 =	sld [smem:$0x3FFD];
	_ =	sdelay $0x3  }
0x96: {  	_ =	strace s2  }
0x97: {  	_ =	strace $0x8FFFFFFF  }
0x98: {  	s20 =	sld [smem:$0x3FDB];
	_ =	sdelay $0x1  }
0x99: {  	s4 =	simm.s32 $_scs_section_size  }
0x9a: {  	s5 =	simm.s32 $_size__tile_overlayer_lowered;
	s6 =	simm.s32 $_tile_overlayer_lowered  }
0x9b: {  	s7 =	simm.s32 $0x1BFF;
	s21 =	sshll.u32 s6, $0x1;
	s4 =	sadd.s32 s4, s20  }
0x9c: {  	s22 =	simm.s32 $0x0;
	s5 =	sshll.u32 s5, $0x1;
	s6 =	sadd.s32 s21, s4  }
0x9d: {  	[timem:s22], [sflag:s7] =	dma.local [hbm:s6], s5  }
0x9e: {  	_ =	swait.ge [sflag:s7], s5  }
0x9f: {  	s5 =	ssub.s32 $0x0, s5;
	[sflag:s7] =	ssyncset.done $0x0  }
0xa0: {  	[sflag:s7] =	ssyncadd.s32 s5;
	_ =	sdelay $0x1  }
0xa1: {  	s23 =	simm.s32 $0x1B8B  }
0xa2: {  	_ =	swait.ge [sflag:s23], $0x1  }
0xa3: {  	[sflag:s23] =	ssyncset.done $0x0  }
0xa4: {  	[sflag:s23] =	ssyncadd.s32 $0xFFFFFFFF  }
0xa5: {  	s5 =	sld [smem:$0x0]  }
0xa6: {  	s6 =	sand.u32 $0xFFFFFFFE, s1  }
0xa7: {  	p0 =	sne.s32 s1, s6  }
0xa8: {  	s6 =	sshll.u32 @p0 s6, $0xE  }
0xa9: {  	s6 =	sadd.s32 @p0 $0x11B8D, s6;
	s7 =	sshll.u32 @p0 s5, $0x11  }
0xaa: {  	s6 =	sor.u32 @p0 s7, s6  }
0xab: {  	[sflag:s6] =	ssyncadd.remote.s32 @p0 $0x1;
	_ =	sdelay $0x1  }
0xac: {  	s6 =	simm.s32 @p0 $0x1B8D  }
0xad: {  	_ =	swait.eq @p0 [sflag:s6], $0x1  }
0xae: {  	[sflag:s6] =	ssyncadd.s32 @p0 $0xFFFFFFFF  }
0xaf: {  	s7 =	sshll.u32 @!p0 s1, $0xE  }
0xb0: {  	s7 =	sor.u32 @!p0 $0x4000, s7;
	s6 =	simm.s32 @!p0 $0x1B8D  }
0xb1: {  	s5 =	sshll.u32 @!p0 s5, $0x11;
	s7 =	sadd.s32 @!p0 $0x11B8D, s7;
	_ =	swait.eq @!p0 [sflag:s6], $0x1  }
0xb2: {  	s5 =	sor.u32 @!p0 s5, s7;
	[sflag:s6] =	ssyncadd.s32 @!p0 $0xFFFFFFFF  }
0xb3: {  	s25 =	simm.s32 $0x1B8E;
	s24 =	sld [smem:$0x3FFE];
	[sflag:s5] =	ssyncadd.remote.s32 @!p0 $0x1  }
0xb4: {  	s26 =	simm.s32 $execute0_lowered;
	[smem:$0x3FD2] =	sst s25  }
0xb5: {  	s6 =	sshll.u32 s26, $0x1;
	_ =	strace $0x8000004C;
	[dreg:$0x1] =	wrdreg $0xFFFFFFFF  }
0xb6: {  	s28 =	simm.s32 $_size_execute0_lowered;
	s4 =	sadd.s32 s4, s6;
	[dreg:$0x0] =	wrdreg $0x0  }
0xb7: {  	s6 =	sshll.u32 s28, $0x1;
	[dreg:$0x2] =	wrdreg s4  }
0xb8: {  	[dreg:$0x3] =	wrdreg s6  }
0xb9: {  	[dreg:$0x4] =	wrdreg $0xC0  }
0xba: {  	_ =	task [dreg:s22], $0x5FFFF  }
0xbb: {  	[dreg:$0x1] =	wrdreg $0xFFFFFFFF  }
0xbc: {  	[dreg:$0x0] =	wrdreg $0x60  }
0xbd: {  	[dreg:$0x2] =	wrdreg s24  }
0xbe: {  	[dreg:$0x3] =	wrdreg s18  }
0xbf: {  	[dreg:$0x4] =	wrdreg $0xA  }
0xc0: {  	_ =	task.clear_ibuf [dreg:s22], $0x5FFFF;
	_ =	strace $0x9000004C  }
0xc1: {  	s29 =	simm.s32 $0xA;
	_ =	strace $0x8000004E  }
0xc2: {  	_ =	swait.ge [sflag:s29], $0x1  }
0xc3: {  	[sflag:s29] =	ssyncadd.s32 $0xFFFFFFFF  }
0xc4: {  	_ =	strace $0x9000004E  }
0xc5: {  	_ =	sfence  }
0xc6: {  	s30 =	sld [smem:$0x0];
	_ =	sdelay $0x2  }
0xc7: {  	s31 =	sshll.u32 s1, $0xD;
	s1 =	sshrl.u32 s1, $0x2  }
0xc8: {  	s4 =	sand.u32 $0x4000, s31;
	s1 =	sadd.s32 s1, s30  }
0xc9: {  	s0 =	sor.u32 s4, s0;
	s1 =	sshll.u32 s1, $0x11  }
0xca: {  	s0 =	sor.u32 s1, s0  }
0xcb: {  	s0 =	sadd.s32 $0x8F2B, s0  }
0xcc: {  	[sflag:s0] =	ssyncadd.remote.s32 $0x1  }
0xcd: {  	_ =	sfence.sel $0xFFFF  }
0xce: {  	[dreg:$0x0] =	wrdreg $0xFFFFFFFF;
	(pc) =	sbr.abs _section_cstart, $3  }
0xcf: {  	[dreg:$0x1] =	wrdreg $0xFFFFFFFF  }
0xd0: {  	_ =	task.clear_ibuf [dreg:s22], $0x2FFFF;
	_ =	strace $0x9FFFFFFF  }
0xd1: {  	(tm) =	ssettm $0x7FFFFFFF  }
tec
execute0_lowered:
.L_overlay_start_1:
0x0: {  	(tag) =	ssettag $0x1  }
0x1: {  	s4 =	rddreg [dreg:$0x0]  }
0x2: {  	s6 =	rddreg [dreg:$0x1]  }
0x3: {  	s0 =	rddreg [dreg:$0x2];
	s2 =	simm.s32 $0x0  }
0x4: {  	s1 =	stileid.u32;
	s3 =	srdreg.scid;
	s11 =	simm.s32 $0x1880  }
0x5: {  	s12 =	simm.s32 $0x2080;
	s13 =	simm.s32 $0x2880;
	s14 =	simm.s32 $0x3080  }
0x6: {  	s15 =	simm.s32 $0x3880;
	s16 =	simm.s32 $0x4080;
	s17 =	simm.s32 $0x4880  }
0x7: {  	s18 =	simm.s32 $0x5080;
	s19 =	simm.s32 $0x5880;
	s20 =	simm.s32 $0x6080  }
0x8: {  	s21 =	simm.s32 $0x6880;
	s22 =	simm.s32 $0x7080;
	s23 =	simm.s32 $0x7880  }
0x9: {  	s24 =	simm.s32 $0x1;
	s25 =	simm.s32 $0x0;
	[smem:$0x7FF] =	sst s2  }
0xa: {  	s5 =	sshll.u32 s1, $0x12;
	s7 =	sand.u32 $0x1, s3;
	s3 =	sadd.s32 $0x40400, s4  }
0xb: {  	s9 =	sshll.u32 s1, $0xD;
	_ =	strace $0x8000004D;
	s5 =	sadd.s32 s5, s4  }
0xc: {  	s29 =	ssub.s32 $0x2, s7;
	s10 =	sshll.u32 s7, $0xC;
	s7 =	sshll.u32 s7, $0x11  }
0xd: {  	s8 =	sshrl.u32 s29, $0x1;
	s30 =	sor.u32 s10, s9;
	s5 =	sadd.s32 s7, s5  }
0xe: {  	v2 =	vlaneseq.u32;
	s7 =	simm.s32 $0x2;
	s9 =	simm.s32 $0x880;
	s10 =	simm.s32 $0x1080  }
0xf: {  	vm0 =	vmmov $0xffff;
	v1 =	vshrl.u32 v2, $0x3;
	s4 =	ssub.s32 s29, s8;
	s31 =	sshrl.u32 s30, $0x3;
	s5 =	sadd.s32 $0x60400, s5  }
0x10: {  	v0 =	vand.u32 $0x7, v2;
	v2 =	vor.u32 $0x8, v2;
	v1 =	vmul.u32 $0x8, v1;
	s8 =	simm.s32 $0x80;
	s4 =	smax.u32 s4, $0x1;
	s6 =	sadd.s32 s31, s6  }
.LBB2_1:
0x11: {  	s26 =	smov.u32 s5;
	s28 =	simm.s32 $0x0  }
.LBB2_2:
0x12: {  	s29 =	sadd.s32 s28, s6  }
0x13: {  	[tilespmem:s2], [sflag:$0x2] =	stream.linear.gather [hbm4b:s29+s2], $0x80, $0x38;
	[tilespmem:$0x8080] =	vst v63  }
0x14: {  	_ =	swait.ge [sflag:s7], $0x80  }
0x15: {  	[sflag:s7] =	ssyncset.done $0x0  }
0x16: {  	[sflag:s7] =	ssyncadd.s32 $0xFFFFFF80  }
0x17: {  	v3 =	vld [tilespmem:$0x0];
	_ =	sdelay $0x4  }
0x18: {  	v4 =	vshll.u32 v3, $0x1  }
0x19: {  	v3 =	vand.u32 $0x7, v3;
	v4 =	vand.u32 $0xFFFFFFF0, v4  }
0x1a: {  	v3 =	vor.u32 v3, v4  }
0x1b: {  	v4 =	vperm.xlane v3, v0;
	_ =	sdelay $0x1  }
0x1c: {  	v3 =	vperm.xlane v3, v2;
	v4 =	vadd.s32 v1, v4;
	_ =	sdelay $0x1  }
0x1d: {  	v3 =	vadd.s32 v1, v3;
	_ =	sdelay $0x2  }
0x1e: {  	[tilespmem:s8], [sflag:$0x1] =	stream.indirect_vreg.gather [hbm4b:s3+s2], $0x80, v4, vm0, $0xb8;
	[tilespmem:$0x8080] =	vst v63  }
0x1f: {  	_ = 	snop  }
0x20: {  	[tilespmem:s9], [sflag:$0x1] =	stream.indirect_vreg.gather [hbm4b:s3+s2], $0x80, v3, vm0, $0xb8;
	[tilespmem:$0x8080] =	vst v63  }
0x21: {  	v3 =	vld [tilespmem:$0x10];
	_ =	sdelay $0x4  }
0x22: {  	v57 =	vshll.u32 v3, $0x1  }
0x23: {  	v3 =	vand.u32 $0x7, v3;
	v4 =	vand.u32 $0xFFFFFFF0, v57  }
0x24: {  	v3 =	vor.u32 v3, v4  }
0x25: {  	v4 =	vperm.xlane v3, v0;
	_ =	sdelay $0x1  }
0x26: {  	v3 =	vperm.xlane v3, v2;
	v4 =	vadd.s32 v1, v4;
	_ =	sdelay $0x1  }
0x27: {  	v3 =	vadd.s32 v1, v3;
	_ =	sdelay $0x2  }
0x28: {  	[tilespmem:s10], [sflag:$0x1] =	stream.indirect_vreg.gather [hbm4b:s3+s2], $0x80, v4, vm0, $0xb8;
	[tilespmem:$0x8080] =	vst v63  }
0x29: {  	_ = 	snop  }
0x2a: {  	[tilespmem:s11], [sflag:$0x1] =	stream.indirect_vreg.gather [hbm4b:s3+s2], $0x80, v3, vm0, $0xb8;
	[tilespmem:$0x8080] =	vst v63  }
0x2b: {  	v3 =	vld [tilespmem:$0x20];
	_ =	sdelay $0x4  }
0x2c: {  	v58 =	vshll.u32 v3, $0x1  }
0x2d: {  	v3 =	vand.u32 $0x7, v3;
	v4 =	vand.u32 $0xFFFFFFF0, v58  }
0x2e: {  	v3 =	vor.u32 v3, v4  }
0x2f: {  	v4 =	vperm.xlane v3, v0;
	_ =	sdelay $0x1  }
0x30: {  	v3 =	vperm.xlane v3, v2;
	v4 =	vadd.s32 v1, v4;
	_ =	sdelay $0x1  }
0x31: {  	v3 =	vadd.s32 v1, v3;
	_ =	sdelay $0x2  }
0x32: {  	[tilespmem:s12], [sflag:$0x1] =	stream.indirect_vreg.gather [hbm4b:s3+s2], $0x80, v4, vm0, $0xb8;
	[tilespmem:$0x8080] =	vst v63  }
0x33: {  	_ = 	snop  }
0x34: {  	[tilespmem:s13], [sflag:$0x1] =	stream.indirect_vreg.gather [hbm4b:s3+s2], $0x80, v3, vm0, $0xb8;
	[tilespmem:$0x8080] =	vst v63  }
0x35: {  	v3 =	vld [tilespmem:$0x30];
	_ =	sdelay $0x4  }
0x36: {  	v59 =	vshll.u32 v3, $0x1  }
0x37: {  	v3 =	vand.u32 $0x7, v3;
	v4 =	vand.u32 $0xFFFFFFF0, v59  }
0x38: {  	v3 =	vor.u32 v3, v4  }
0x39: {  	v4 =	vperm.xlane v3, v0;
	_ =	sdelay $0x1  }
0x3a: {  	v3 =	vperm.xlane v3, v2;
	v4 =	vadd.s32 v1, v4;
	_ =	sdelay $0x1  }
0x3b: {  	v3 =	vadd.s32 v1, v3;
	_ =	sdelay $0x2  }
0x3c: {  	[tilespmem:s14], [sflag:$0x1] =	stream.indirect_vreg.gather [hbm4b:s3+s2], $0x80, v4, vm0, $0xb8;
	[tilespmem:$0x8080] =	vst v63  }
0x3d: {  	_ = 	snop  }
0x3e: {  	[tilespmem:s15], [sflag:$0x1] =	stream.indirect_vreg.gather [hbm4b:s3+s2], $0x80, v3, vm0, $0xb8;
	[tilespmem:$0x8080] =	vst v63  }
0x3f: {  	v3 =	vld [tilespmem:$0x40];
	_ =	sdelay $0x4  }
0x40: {  	v60 =	vshll.u32 v3, $0x1  }
0x41: {  	v3 =	vand.u32 $0x7, v3;
	v4 =	vand.u32 $0xFFFFFFF0, v60  }
0x42: {  	v3 =	vor.u32 v3, v4  }
0x43: {  	v4 =	vperm.xlane v3, v0;
	_ =	sdelay $0x1  }
0x44: {  	v3 =	vperm.xlane v3, v2;
	v4 =	vadd.s32 v1, v4;
	_ =	sdelay $0x1  }
0x45: {  	v3 =	vadd.s32 v1, v3;
	_ =	sdelay $0x2  }
0x46: {  	[tilespmem:s16], [sflag:$0x1] =	stream.indirect_vreg.gather [hbm4b:s3+s2], $0x80, v4, vm0, $0xb8;
	[tilespmem:$0x8080] =	vst v63  }
0x47: {  	_ = 	snop  }
0x48: {  	[tilespmem:s17], [sflag:$0x1] =	stream.indirect_vreg.gather [hbm4b:s3+s2], $0x80, v3, vm0, $0xb8;
	[tilespmem:$0x8080] =	vst v63  }
0x49: {  	v3 =	vld [tilespmem:$0x50];
	_ =	sdelay $0x4  }
0x4a: {  	v61 =	vshll.u32 v3, $0x1  }
0x4b: {  	v3 =	vand.u32 $0x7, v3;
	v4 =	vand.u32 $0xFFFFFFF0, v61  }
0x4c: {  	v3 =	vor.u32 v3, v4  }
0x4d: {  	v4 =	vperm.xlane v3, v0;
	_ =	sdelay $0x1  }
0x4e: {  	v3 =	vperm.xlane v3, v2;
	v4 =	vadd.s32 v1, v4;
	_ =	sdelay $0x1  }
0x4f: {  	v3 =	vadd.s32 v1, v3;
	_ =	sdelay $0x2  }
0x50: {  	[tilespmem:s18], [sflag:$0x1] =	stream.indirect_vreg.gather [hbm4b:s3+s2], $0x80, v4, vm0, $0xb8;
	[tilespmem:$0x8080] =	vst v63  }
0x51: {  	_ = 	snop  }
0x52: {  	[tilespmem:s19], [sflag:$0x1] =	stream.indirect_vreg.gather [hbm4b:s3+s2], $0x80, v3, vm0, $0xb8;
	[tilespmem:$0x8080] =	vst v63  }
0x53: {  	v3 =	vld [tilespmem:$0x60];
	_ =	sdelay $0x4  }
0x54: {  	v62 =	vshll.u32 v3, $0x1  }
0x55: {  	v3 =	vand.u32 $0x7, v3;
	v4 =	vand.u32 $0xFFFFFFF0, v62  }
0x56: {  	v3 =	vor.u32 v3, v4  }
0x57: {  	v4 =	vperm.xlane v3, v0;
	_ =	sdelay $0x1  }
0x58: {  	v3 =	vperm.xlane v3, v2;
	v4 =	vadd.s32 v1, v4;
	_ =	sdelay $0x1  }
0x59: {  	v3 =	vadd.s32 v1, v3;
	_ =	sdelay $0x2  }
0x5a: {  	[tilespmem:s20], [sflag:$0x1] =	stream.indirect_vreg.gather [hbm4b:s3+s2], $0x80, v4, vm0, $0xb8;
	[tilespmem:$0x8080] =	vst v63  }
0x5b: {  	_ = 	snop  }
0x5c: {  	[tilespmem:s21], [sflag:$0x1] =	stream.indirect_vreg.gather [hbm4b:s3+s2], $0x80, v3, vm0, $0xb8;
	[tilespmem:$0x8080] =	vst v63  }
0x5d: {  	v3 =	vld [tilespmem:$0x70];
	_ =	sdelay $0x4  }
0x5e: {  	v63 =	vshll.u32 v3, $0x1  }
0x5f: {  	v3 =	vand.u32 $0x7, v3;
	v4 =	vand.u32 $0xFFFFFFF0, v63  }
0x60: {  	v3 =	vor.u32 v3, v4  }
0x61: {  	v4 =	vperm.xlane v3, v0;
	_ =	sdelay $0x1  }
0x62: {  	v3 =	vperm.xlane v3, v2;
	v4 =	vadd.s32 v1, v4;
	_ =	sdelay $0x1  }
0x63: {  	v3 =	vadd.s32 v1, v3;
	_ =	sdelay $0x2  }
0x64: {  	[tilespmem:s22], [sflag:$0x1] =	stream.indirect_vreg.gather [hbm4b:s3+s2], $0x80, v4, vm0, $0xb8;
	[tilespmem:$0x8080] =	vst v63  }
0x65: {  	_ = 	snop  }
0x66: {  	[tilespmem:s23], [sflag:$0x1] =	stream.indirect_vreg.gather [hbm4b:s3+s2], $0x80, v3, vm0, $0xb8;
	[tilespmem:$0x8080] =	vst v63  }
0x67: {  	_ =	swait.ge [sflag:s24], $0x8000  }
0x68: {  	p0 =	sne.s32 s28, $0x1F0;
	[sflag:s24] =	ssyncset.done $0x0  }
.Ltmp0:
0x69: {  	[sflag:s24] =	ssyncadd.s32 $0xFFFF8000;
	(pc) =	sbr.rel @p0 .LBB2_2-.Ltmp0, $4  }
0x6a: {  	[hbm4b:s26+s2] =	stream.linear.scatter [tilespmem:s8], [sflag:$0x2], $0x8000, $0x38;
	[tilespmem:$0x8080] =	vst v63  }
0x6b: {  	_ =	swait.ge [sflag:s7], $0x8000  }
0x6c: {  	[sflag:s7] =	ssyncset.done $0x0  }
0x6d: {  	s28 =	sadd.s32 $0x10, s28;
	s26 =	sadd.s32 $0x1000, s26;
	[sflag:s7] =	ssyncadd.s32 $0xFFFF8000  }
0x6e: {  	s25 =	sadd.s32 $0x1, s25  }
0x6f: {  	p0 =	sne.s32 s25, s4  }
.Ltmp1:
0x70: {  	_ = 	snop;
	(pc) =	sbr.rel @p0 .LBB2_1-.Ltmp1, $1  }
0x71: {  	_ =	sdelay $0x3  }
0x72: {  	_ =	sfence.sel $0x180000  }
0x73: {  	[bflag:$0x0] =	sbarrier.arrive $0xFFFF  }
0x74: {  	p0 =	sne.s32 s1, $0x0;
	_ =	strace $0x9000004D  }
0x75: {  	s0 =	sadd.s32 @!p0 $0x100000, s0;
	[bflag:$0x2] =	sbarrier.arrive $0xFFFF  }
0x76: {  	[sflag:s0] =	ssyncadd.tile.s32 @!p0 $0x1;
	_ =	shalt  }
.Lfunc_end2:
_tile_overlayer_lowered:
.L_overlay_start_2:
0x77: {  	(tag) =	ssettag $0x2  }
0x78: {  	s0 =	rddreg [dreg:$0x0];
	s2 =	stileid.u32  }
0x79: {  	s1 =	rddreg [dreg:$0x1];
	p0 =	sne.s32 s2, $0x0  }
0x7a: {  	s3 =	rddreg [dreg:$0x2];
	[bflag:$0x3] =	sbarrier.arrive $0xFFFF;
	s2 =	simm.s32 @!p0 $0x1C02  }
0x7b: {  	[timem:s3], [sflag:s2] =	dma.local @!p0 [hbm:s0], s1  }
0x7c: {  	s0 =	simm.s32 @!p0 $0x2  }
0x7d: {  	_ =	swait.ge @!p0 [sflag:s0], s1  }
0x7e: {  	s1 =	ssub.s32 @!p0 $0x0, s1;
	[sflag:s0] =	ssyncset.done @!p0 $0x0  }
0x7f: {  	[sflag:s0] =	ssyncadd.s32 @!p0 s1  }
0x80: {  	[bflag:$0x3] =	sbarrier.arrive $0xFFFF  }
0x81: {  	_ =	shalt  }

// kernel: sparse-core-data-format-call.cloned.1.call-start
scs
called_computation_lowered:
.L_overlay_start_0:
0x0: {  	s2 =	sld [smem:$0x3FD9]  }
0x1: {  	s3 =	sld [smem:$0x3FFE];
	_ =	sdelay $0x1  }
0x2: {  	s1 =	srdreg.scid  }
0x3: {  	s0 =	sand.u32 $0x1, s1  }
0x4: {  	s18 =	sshll.u32 s0, $0xA;
	s2 =	sadd.s32 s3, s2  }
0x5: {  	s2 =	sadd.s32 s2, s18  }
0x6: {  	[smem:$0x3F8F] =	sst s2  }
0x7: {  	_ = 	snop  }
0x8: {  	(tm) =	ssettm $0x1  }
0x9: {  	s19 =	sld [smem:$0x3FFB];
	_ =	sdelay $0x3  }
0xa: {  	_ =	strace s19  }
0xb: {  	s2 =	sld [smem:$0x3FFC];
	_ =	sdelay $0x3  }
0xc: {  	_ =	strace s2  }
0xd: {  	s2 =	sld [smem:$0x3FFD];
	_ =	sdelay $0x3  }
0xe: {  	_ =	strace s2  }
0xf: {  	_ =	strace $0x8FFFFFFF  }
0x10: {  	s20 =	sld [smem:$0x3FDB];
	_ =	sdelay $0x1  }
0x11: {  	s21 =	simm.s32 $_scs_section_size  }
0x12: {  	s4 =	simm.s32 $_size__tile_overlayer_lowered;
	s5 =	simm.s32 $_tile_overlayer_lowered  }
0x13: {  	s6 =	simm.s32 $0x1BFF;
	s22 =	sshll.u32 s5, $0x1;
	s3 =	sadd.s32 s21, s20  }
0x14: {  	s23 =	simm.s32 $0x0;
	s4 =	sshll.u32 s4, $0x1;
	s5 =	sadd.s32 s22, s3  }
0x15: {  	[timem:s23], [sflag:s6] =	dma.local [hbm:s5], s4  }
0x16: {  	_ =	swait.ge [sflag:s6], s4  }
0x17: {  	s4 =	ssub.s32 $0x0, s4;
	[sflag:s6] =	ssyncset.done $0x0  }
0x18: {  	[sflag:s6] =	ssyncadd.s32 s4;
	_ =	sdelay $0x1  }
0x19: {  	s24 =	simm.s32 $0x1B8B  }
0x1a: {  	_ =	swait.ge [sflag:s24], $0x1  }
0x1b: {  	[sflag:s24] =	ssyncset.done $0x0  }
0x1c: {  	[sflag:s24] =	ssyncadd.s32 $0xFFFFFFFF  }
0x1d: {  	s4 =	sld [smem:$0x0]  }
0x1e: {  	s5 =	sand.u32 $0xFFFFFFFE, s1  }
0x1f: {  	p0 =	sne.s32 s1, s5  }
0x20: {  	s5 =	sshll.u32 @p0 s5, $0xE  }
0x21: {  	s5 =	sadd.s32 @p0 $0x11B8D, s5;
	s6 =	sshll.u32 @p0 s4, $0x11  }
0x22: {  	s5 =	sor.u32 @p0 s6, s5  }
0x23: {  	[sflag:s5] =	ssyncadd.remote.s32 @p0 $0x1;
	_ =	sdelay $0x1  }
0x24: {  	s5 =	simm.s32 @p0 $0x1B8D  }
0x25: {  	_ =	swait.eq @p0 [sflag:s5], $0x1  }
0x26: {  	[sflag:s5] =	ssyncadd.s32 @p0 $0xFFFFFFFF  }
0x27: {  	s6 =	sshll.u32 @!p0 s1, $0xE  }
0x28: {  	s6 =	sor.u32 @!p0 $0x4000, s6;
	s5 =	simm.s32 @!p0 $0x1B8D  }
0x29: {  	s4 =	sshll.u32 @!p0 s4, $0x11;
	s6 =	sadd.s32 @!p0 $0x11B8D, s6;
	_ =	swait.eq @!p0 [sflag:s5], $0x1  }
0x2a: {  	s4 =	sor.u32 @!p0 s4, s6;
	[sflag:s5] =	ssyncadd.s32 @!p0 $0xFFFFFFFF  }
0x2b: {  	s26 =	simm.s32 $0x1B8E;
	s25 =	sld [smem:$0x3FFE];
	[sflag:s4] =	ssyncadd.remote.s32 @!p0 $0x1  }
0x2c: {  	s27 =	simm.s32 $execute0_lowered;
	[smem:$0x3FD2] =	sst s26  }
0x2d: {  	s5 =	sshll.u32 s27, $0x1;
	_ =	strace $0x80000049;
	[dreg:$0x1] =	wrdreg $0xFFFFFFFF  }
0x2e: {  	s28 =	simm.s32 $_size_execute0_lowered;
	s3 =	sadd.s32 s3, s5;
	[dreg:$0x0] =	wrdreg $0x0  }
0x2f: {  	s5 =	sshll.u32 s28, $0x1;
	[dreg:$0x2] =	wrdreg s3  }
0x30: {  	[dreg:$0x3] =	wrdreg s5  }
0x31: {  	[dreg:$0x4] =	wrdreg $0xC0  }
0x32: {  	_ =	task [dreg:s23], $0x5FFFF  }
0x33: {  	[dreg:$0x1] =	wrdreg $0xFFFFFFFF  }
0x34: {  	[dreg:$0x0] =	wrdreg $0x60  }
0x35: {  	[dreg:$0x2] =	wrdreg s25  }
0x36: {  	[dreg:$0x3] =	wrdreg $0x9  }
0x37: {  	_ =	task.clear_ibuf [dreg:s23], $0x4FFFF;
	_ =	strace $0x90000049  }
0x38: {  	s29 =	simm.s32 $0x9;
	_ =	strace $0x8000004B  }
0x39: {  	_ =	swait.ge [sflag:s29], $0x1  }
0x3a: {  	[sflag:s29] =	ssyncadd.s32 $0xFFFFFFFF  }
0x3b: {  	_ =	strace $0x9000004B  }
0x3c: {  	_ =	sfence  }
0x3d: {  	s30 =	sld [smem:$0x0];
	_ =	sdelay $0x2  }
0x3e: {  	s31 =	sshll.u32 s1, $0xD;
	s1 =	sshrl.u32 s1, $0x2  }
0x3f: {  	s4 =	sand.u32 $0x4000, s31;
	s1 =	sadd.s32 s1, s30  }
0x40: {  	s0 =	sor.u32 s4, s0;
	s1 =	sshll.u32 s1, $0x11  }
0x41: {  	s0 =	sor.u32 s1, s0  }
0x42: {  	s0 =	sadd.s32 $0x8F2B, s0  }
0x43: {  	[sflag:s0] =	ssyncadd.remote.s32 $0x1  }
0x44: {  	_ =	sfence.sel $0xFFFF  }
0x45: {  	[dreg:$0x0] =	wrdreg $0xFFFFFFFF;
	(pc) =	sbr.abs _section_cstart, $3  }
0x46: {  	[dreg:$0x1] =	wrdreg $0xFFFFFFFF  }
0x47: {  	_ =	task.clear_ibuf [dreg:s23], $0x2FFFF;
	_ =	strace $0x9FFFFFFF  }
0x48: {  	(tm) =	ssettm $0x7FFFFFFF  }
0x49: {  	_ =	shalt  }
tec
execute0_lowered:
.L_overlay_start_1:
0x0: {  	(tag) =	ssettag $0x1  }
0x1: {  	s0 =	stileid.u32;
	s1 =	srdreg.scid  }
0x2: {  	s4 =	rddreg [dreg:$0x0];
	s7 =	simm.s32 $0x1;
	s31 =	simm.s32 $0x2  }
0x3: {  	s16 =	simm.s32 $0x0;
	s2 =	sshll.u32 s0, $0x5;
	s1 =	sshll.u32 s1, $0x9  }
0x4: {  	s9 =	simm.s32 $0x8000;
	s14 =	simm.s32 $0x0;
	s1 =	sor.u32 s2, s1  }
0x5: {  	s15 =	simm.s32 $0x0;
	s10 =	simm.s32 $0x0;
	s2 =	sand.u32 $0x380, s1  }
0x6: {  	s13 =	simm.s32 $0x0;
	s3 =	sadd.s32 $0x8A0800, s4;
	s5 =	ssub.s32 $0x1000, s2  }
0x7: {  	s4 =	sadd.s32 $0xAA0800, s4;
	s1 =	rddreg [dreg:$0x1];
	s6 =	sand.u32 $0x380, s5  }
.Ltmp0:
0x8: {  	_ =	strace $0x8000004A;
	p0 =	sne.s32 s6, $0x0;
	(pc) =	sbr.rel .LBB1_1-.Ltmp0, $4  }
0x9: {  	s11 =	smov.u32 s2;
	s8 =	sshrl.u32 s5, $0xA;
	s7 =	simm.s32 @!p0 $0x0  }
0xa: {  	s5 =	sand.u32 $0x3, s0;
	s6 =	simm.s32 $0x1;
	s7 =	sadd.s32 s7, s8  }
0xb: {  	s12 =	smov.u32 s5;
	[sflag:s6] =	ssyncpa.u1 $0x0;
	s7 =	sshll.u32 s7, $0x3  }
0xc: {  	p0 =	por $0x0, $0x0;
	[sflag:s31] =	ssyncpa.u1 $0x0;
	s8 =	sor.u32 $0x1, s7  }
.LBB1_4:
0xd: {  	v5 =	vld [tilespmem:s19+$0xFFFFFFD0]  }
0xe: {  	[tilespmem:s20+$0x2040 ss:$0x81] =	vst.msk $0xffff, v1;
	v58 =	vld [tilespmem:s19+$0xFFFFFFE0]  }
0xf: {  	[tilespmem:s20+$0x2850 ss:$0x81] =	vst.msk $0xffff, v2;
	v59 =	vld [tilespmem:s19+$0xFFFFFFF0]  }
0x10: {  	s21 =	sshra.s32 s21, $0x2;
	[tilespmem:s20+$0x3060 ss:$0x81] =	vst.msk $0xffff, v3;
	v60 =	vld [tilespmem:s19+$0x0]  }
0x11: {  	[tilespmem:s20+$0x0 ss:$0x81] =	vst.msk $0xffff, v0;
	v61 =	vld [tilespmem:s19+$0x10];
	s18 =	sadd.s32 s21, s18  }
0x12: {  	s26 =	sshll.u32 s16, $0xC;
	v62 =	vld [tilespmem:s19+$0x20];
	[tilespmem:s18+$0x3870 ss:$0x81] =	vst.msk $0xffff, v4  }
0x13: {  	s27 =	sand.u32 $0x78, s14;
	s22 =	sshll.u32 s14, $0x3;
	v63 =	vld [tilespmem:s19+$0xFFFFFFC0];
	s29 =	sshll.u32 s16, $0x7;
	[tilespmem:s18+$0x810 ss:$0x81] =	vst.msk $0xffff, v5  }
0x14: {  	s15 =	sshll.u32 s15, $0x13;
	s20 =	sand.u32 $0x3F8000, s26;
	s28 =	sand.u32 $0x3FFC00, s22;
	[tilespmem:s18+$0x1020 ss:$0x81] =	vst.msk $0xffff, v58  }
0x15: {  	s31 =	sand.u32 $0x7, s14;
	s22 =	sand.u32 $0xC00, s22;
	s19 =	sadd.s32 s28, s20;
	[tilespmem:s18+$0x1830 ss:$0x81] =	vst.msk $0xffff, v59  }
0x16: {  	s16 =	sand.u32 $0x380, s29;
	s30 =	sor.u32 s27, s22;
	s19 =	sshrl.u32 s19, $0x3;
	[tilespmem:s18+$0x2040 ss:$0x81] =	vst.msk $0xffff, v60  }
0x17: {  	s15 =	sadd.s32 s4, s15;
	s16 =	sor.u32 s16, s30;
	s19 =	sand.u32 $0x7FE00, s19;
	[tilespmem:s18+$0x2850 ss:$0x81] =	vst.msk $0xffff, v61  }
0x18: {  	s14 =	sshll.u32 s31, $0x12;
	s16 =	sshrl.u32 s16, $0x3;
	[tilespmem:s18+$0x3060 ss:$0x81] =	vst.msk $0xffff, v62;
	s15 =	sadd.s32 s19, s15  }
0x19: {  	s14 =	sor.u32 $0x400, s14;
	[tilespmem:s18+$0x0 ss:$0x81] =	vst.msk $0xffff, v63;
	s15 =	sadd.s32 s16, s15  }
0x1a: {  	[hbm4b:s15+s14] =	stream.strided.scatter [tilespmem:s17], [sflag:$0x2], $0x4000, s9, s14, $0x20;
	[tilespmem:$0x10100] =	vst v63  }
.LBB1_5:
0x1b: {  	s17 =	sadd.s32 $0x80, s10  }
0x1c: {  	s14 =	sadd.s32 $0x400, s11;
	s18 =	smov.u32 s11;
	p2 =	sgt.s32 s17, $0x3FF  }
0x1d: {  	s18 =	smov.u32 @p2 s14  }
0x1e: {  	s20 =	smov.u32 s12;
	s14 =	sadd.s32 $0x4, s12;
	p3 =	sgt.s32 s18, $0xFFF  }
0x1f: {  	s20 =	smov.u32 @p3 s14  }
0x20: {  	s17 =	simm.s32 @p2 $0x0;
	p2 =	sgt.s32 s20, $0x3  }
0x21: {  	p1 =	slt.u32 s13, $0x2;
	s20 =	smov.u32 @p2 s5;
	p2 =	sne.s32 s13, s8  }
.Ltmp1:
0x22: {  	s19 =	simm.s32 @!p1 $0x2;
	(pc) =	sbr.rel @!p2 .LBB1_6-.Ltmp1, $4  }
0x23: {  	s16 =	smov.u32 s10;
	s15 =	smov.u32 s12;
	_ =	swait.ge @!p1 [sflag:s19], $0x4000  }
0x24: {  	p0 =	por !p0, !p0;
	[sflag:s19] =	ssyncset.done @!p1 $0x0;
	s10 =	smov.u32 s17  }
0x25: {  	s18 =	smov.u32 @p3 s2;
	s14 =	smov.u32 s11;
	[sflag:s19] =	ssyncadd.s32 @!p1 $0xFFFFC000  }
0x26: {  	s11 =	smov.u32 s18;
	s13 =	sadd.s32 $0x1, s13;
	s12 =	smov.u32 s20  }
.LBB1_1:
0x27: {  	p1 =	sge.u32 s13, s7  }
0x28: {  	s31 =	sadd.s32 $0xFFFFFFFF, s13;
	s17 =	sshll.u32 @!p1 s11, $0x7  }
0x29: {  	s18 =	sxor.u32 @!p1 $0xFFFFFFFF, s13;
	s19 =	sand.u32 @!p1 $0x78, s10;
	s20 =	sand.u32 @!p1 $0x380, s17  }
0x2a: {  	s18 =	sshll.u32 @!p1 s18, $0xE;
	s19 =	sor.u32 @!p1 s19, s20;
	s20 =	sshll.u32 @!p1 s12, $0x13  }
0x2b: {  	s17 =	sand.u32 @!p1 $0x7FC00, s17;
	s19 =	sshrl.u32 @!p1 s19, $0x3;
	s20 =	sadd.s32 @!p1 s3, s20  }
0x2c: {  	s17 =	sadd.s32 @!p1 s10, s17;
	s19 =	sadd.s32 @!p1 s19, s20;
	s20 =	sand.u32 @!p1 $0x7, s10  }
0x2d: {  	s18 =	sand.u32 @!p1 $0x4000, s18;
	s17 =	sand.u32 @!p1 $0x7FF80, s17;
	s20 =	sshll.u32 @!p1 s20, $0x12  }
0x2e: {  	s17 =	sadd.s32 @!p1 s17, s19;
	s19 =	sor.u32 @!p1 $0x400, s20;
	s20 =	simm.s32 @!p1 $0x2000  }
0x2f: {  	[tilespmem:s18], [sflag:$0x1] =	stream.strided.gather @!p1 [hbm4b:s17+s19], $0x4000, s20, s19, $0x38;
	[tilespmem:$0x10100] =	vst v63  }
0x30: {  	p1 =	sge.u32 s31, s7  }
.Ltmp2:
0x31: {  	_ = 	snop;
	(pc) =	sbr.rel @p1 .LBB1_5-.Ltmp2, $1  }
0x32: {  	_ =	sdelay $0x3  }
0x33: {  	s17 =	simm.s32 $0x1  }
0x34: {  	_ =	swait.ge [sflag:s6], $0x4000;
	s17 =	simm.s32 @!p0 $0x0  }
0x35: {  	[sflag:s6] =	ssyncset.done $0x0;
	s18 =	sshll.u32 s17, $0xE  }
0x36: {  	[sflag:s6] =	ssyncadd.s32 $0xFFFFC000;
	s19 =	sor.u32 $0x40, s18  }
0x37: {  	s17 =	smul.u32 $0x10200, s17;
	v0 =	vld [tilespmem:s19+$0x30]  }
0x38: {  	v3 =	vld [tilespmem:s19+$0xFFFFFFD0]  }
0x39: {  	s17 =	sshrl.u32 s17, $0x2;
	v4 =	vld [tilespmem:s19+$0xFFFFFFE0]  }
0x3a: {  	v5 =	vld [tilespmem:s19+$0xFFFFFFF0];
	s18 =	sor.u32 $0x8000, s17  }
0x3b: {  	s31 =	sand.u32 $0x1, s13;
	v1 =	vld [tilespmem:s19+$0x0];
	s20 =	sadd.s32 $0x0, s18  }
0x3c: {  	v2 =	vld [tilespmem:s19+$0x10];
	s17 =	smul.u32 $0x10200, s31;
	[tilespmem:s20+$0x3870 ss:$0x81] =	vst.msk $0xffff, v0  }
0x3d: {  	[tilespmem:s20+$0x810 ss:$0x81] =	vst.msk $0xffff, v3;
	v3 =	vld [tilespmem:s19+$0x20]  }
0x3e: {  	s17 =	sshrl.u32 s17, $0x2;
	v0 =	vld [tilespmem:s19+$0xFFFFFFC0];
	[tilespmem:s20+$0x1020 ss:$0x81] =	vst.msk $0xffff, v4;
	s19 =	sadd.s32 $0x80, s19  }
0x3f: {  	s21 =	simm.s32 $0x4;
	s22 =	simm.s32 $0x8;
	s17 =	sor.u32 $0x8000, s17;
	[tilespmem:s20+$0x1830 ss:$0x81] =	vst.msk $0xffff, v5;
	v4 =	vld [tilespmem:s19+$0x30]  }
.LBB1_3:
0x40: {  	p1 =	sne.s32 s22, $0x1FC;
	v5 =	vld [tilespmem:s19+$0xFFFFFFD0];
	[tilespmem:s20+$0x2040 ss:$0x81] =	vst.msk $0xffff, v1  }
0x41: {  	v6 =	vld [tilespmem:s19+$0xFFFFFFE0];
	[tilespmem:s20+$0x2850 ss:$0x81] =	vst.msk $0xffff, v2  }
0x42: {  	s23 =	sshra.s32 s21, $0x2;
	s21 =	smov.u32 s22;
	v7 =	vld [tilespmem:s19+$0xFFFFFFF0];
	[tilespmem:s20+$0x3060 ss:$0x81] =	vst.msk $0xffff, v3  }
.Ltmp3:
0x43: {  	v1 =	vld [tilespmem:s19+$0x0];
	[tilespmem:s20+$0x0 ss:$0x81] =	vst.msk $0xffff, v0;
	s20 =	sadd.s32 s23, s18;
	(pc) =	sbr.rel @p1 .LBB1_3-.Ltmp3, $4  }
0x44: {  	v2 =	vld [tilespmem:s19+$0x10];
	[tilespmem:s20+$0x3870 ss:$0x81] =	vst.msk $0xffff, v4  }
0x45: {  	[tilespmem:s20+$0x810 ss:$0x81] =	vst.msk $0xffff, v5;
	v3 =	vld [tilespmem:s19+$0x20]  }
0x46: {  	v0 =	vld [tilespmem:s19+$0xFFFFFFC0];
	[tilespmem:s20+$0x1020 ss:$0x81] =	vst.msk $0xffff, v6;
	s19 =	sadd.s32 $0x80, s19  }
0x47: {  	s22 =	sadd.s32 $0x4, s22;
	v4 =	vld [tilespmem:s19+$0x30];
	[tilespmem:s20+$0x1830 ss:$0x81] =	vst.msk $0xffff, v7  }
.Ltmp4:
0x48: {  	_ = 	snop;
	(pc) =	sbr.rel .LBB1_4-.Ltmp4, $1  }
0x49: {  	_ =	sdelay $0x3  }
.LBB1_6:
0x4a: {  	_ =	sfence.sel $0x180000  }
0x4b: {  	s2 =	simm.s32 $0x1;
	[bflag:$0x0] =	sbarrier.arrive $0xFFFF  }
0x4c: {  	s31 =	simm.s32 $0x2;
	[sflag:s2] =	ssyncpa.u1 $0x1  }
0x4d: {  	[sflag:s31] =	ssyncpa.u1 $0x1  }
0x4e: {  	p0 =	sne.s32 s0, $0x0;
	_ =	strace $0x9000004A  }
0x4f: {  	s0 =	sadd.s32 @!p0 $0x100000, s1;
	[bflag:$0x2] =	sbarrier.arrive $0xFFFF  }
0x50: {  	[sflag:s0] =	ssyncadd.tile.s32 @!p0 $0x1;
	_ =	shalt  }
.Lfunc_end1:
_tile_overlayer_lowered:
.L_overlay_start_2:
0x51: {  	(tag) =	ssettag $0x2  }
0x52: {  	s0 =	rddreg [dreg:$0x0];
	s2 =	stileid.u32  }
0x53: {  	s1 =	rddreg [dreg:$0x1];
	p0 =	sne.s32 s2, $0x0  }
0x54: {  	s3 =	rddreg [dreg:$0x2];
	[bflag:$0x3] =	sbarrier.arrive $0xFFFF;
	s2 =	simm.s32 @!p0 $0x1C01  }
0x55: {  	[timem:s3], [sflag:s2] =	dma.local @!p0 [hbm:s0], s1  }
0x56: {  	s0 =	simm.s32 @!p0 $0x1  }
0x57: {  	_ =	swait.ge @!p0 [sflag:s0], s1  }
0x58: {  	s1 =	ssub.s32 @!p0 $0x0, s1;
	[sflag:s0] =	ssyncset.done @!p0 $0x0  }
0x59: {  	[sflag:s0] =	ssyncadd.s32 @!p0 s1  }
0x5a: {  	[bflag:$0x3] =	sbarrier.arrive $0xFFFF  }
0x5b: {  	_ =	shalt  }

</sc_bundles>
